<compile_context>
chip_gen: v7x
topology: tpu7x:2x2x1
jax: 0.10.2.dev20260603
libtpu: 0.0.44.dev20260713+nightly
codegen_flags: <defaults>
</compile_context>

<pallas_src>
import jax
import jax.numpy as jnp
from jax import lax
from jax.experimental import pallas as pl
from jax.experimental.pallas import tpu as pltpu
from jax.experimental.pallas import tpu_sc as plsc

N = 10000
E = 320000
D = 128

NC = 2
NS = 16
NW = NC * NS
NP = 10240
NZ = NP // NS


def _bent_half(z):
    return (jnp.sqrt(z * z + 1.0) - 1.0) * 0.25 + z * 0.5


H1 = 160000
H2 = E - H1
GCC = 128


def _make_sc_gather(src_off, nedge):
    gnch = nedge // GCC
    gpt = gnch // NW
    grem = gnch - gpt * NW
    gpair = (gpt - 1) // 2
    gidx = gpt * GCC

    def body(node_hbm, src_hbm, out_hbm, idx_v, rows0, rows1, gsem, wsem):
        c = lax.axis_index("c")
        s = lax.axis_index("s")
        wid = s * NC + c
        base = wid * gpt * GCC
        rows = (rows0, rows1)

        pltpu.sync_copy(src_hbm.at[pl.ds(src_off + base, gidx)],
                        idx_v.at[pl.ds(0, gidx)])

        def fire(j, dst):
            return pltpu.async_copy(
                node_hbm.at[idx_v.at[pl.ds(j * GCC, GCC)]], dst, gsem)

        fire(0, rows0).wait()

        def pair(jj, carry):
            j0 = jj * 2
            for b in range(2):
                j = j0 + b
                w = pltpu.async_copy(
                    rows[b], out_hbm.at[pl.ds(base + j * GCC, GCC)], wsem)
                fire(j + 1, rows[1 - b]).wait()
                w.wait()
            return carry

        lax.fori_loop(0, gpair, pair, 0)
        if gpt % 2 == 0:
            w = pltpu.async_copy(
                rows0, out_hbm.at[pl.ds(base + (gpt - 2) * GCC, GCC)], wsem)
            fire(gpt - 1, rows1).wait()
            w.wait()
            pltpu.sync_copy(rows1, out_hbm.at[pl.ds(base + (gpt - 1) * GCC, GCC)])
        else:
            pltpu.sync_copy(rows0, out_hbm.at[pl.ds(base + (gpt - 1) * GCC, GCC)])

        @pl.when(wid < grem)
        def _rem():
            tail = (gpt * NW + wid) * GCC
            pltpu.sync_copy(src_hbm.at[pl.ds(src_off + tail, GCC)],
                            idx_v.at[pl.ds(gidx, GCC)])
            pltpu.async_copy(
                node_hbm.at[idx_v.at[pl.ds(gidx, GCC)]], rows0, gsem).wait()
            pltpu.sync_copy(rows0, out_hbm.at[pl.ds(tail, GCC)])

    return pl.kernel(
        body,
        out_type=jax.ShapeDtypeStruct((nedge, D), jnp.float32),
        mesh=plsc.VectorSubcoreMesh(core_axis_name="c", subcore_axis_name="s",
                                    num_cores=NC, num_subcores=NS),
        scratch_types=[
            pltpu.VMEM((gidx + GCC,), jnp.int32),
            pltpu.VMEM((GCC, D), jnp.float32),
            pltpu.VMEM((GCC, D), jnp.float32),
            pltpu.SemaphoreType.DMA,
            pltpu.SemaphoreType.DMA,
        ],
    )


_sc_gather_lo = _make_sc_gather(0, H1)
_sc_gather_hi = _make_sc_gather(H1, H2)


SCC = 128
NCHT = E // SCC
SPT = NCHT // NW
SREM = NCHT - SPT * NW
SPAIR = (SPT - 1) // 2


def _make_sc_scatter(dst_off):
    def body(y_hbm, dst_hbm, part_hbm, y0, y1, i0, i1, acc_sp,
             ysem, isem, ssem):
        c = lax.axis_index("c")
        s = lax.axis_index("s")
        wid = s * NC + c
        gbase = wid * SPT
        ybuf = (y0, y1)
        ibank = (i0, i1)

        def zrow(i, carry):
            for j in range(D // 16):
                y0[i, pl.ds(j * 16, 16)] = jnp.zeros((16,), jnp.float32)
            return carry

        lax.fori_loop(0, SCC, zrow, 0)
        for k in range(NZ // SCC):
            pltpu.sync_copy(y0, acc_sp.at[pl.ds(s * NZ + k * SCC, SCC)])
        plsc.subcore_barrier()

        pltpu.sync_copy(y_hbm.at[pl.ds(gbase * SCC, SCC)], y0)
        pltpu.sync_copy(dst_hbm.at[pl.ds(dst_off + gbase * SCC, SCC)], i0)

        def pair(jj, carry):
            j0 = jj * 2
            for b in range(2):
                j = j0 + b
                nxt = (gbase + j + 1) * SCC
                yd = pltpu.async_copy(y_hbm.at[pl.ds(nxt, SCC)],
                                      ybuf[1 - b], ysem)
                idd = pltpu.async_copy(dst_hbm.at[pl.ds(dst_off + nxt, SCC)],
                                       ibank[1 - b], isem)
                pltpu.async_copy(ybuf[b], acc_sp.at[ibank[b]], ssem,
                                 add=True).wait()
                yd.wait()
                idd.wait()
            return carry

        lax.fori_loop(0, SPAIR, pair, 0)
        if SPT % 2 == 0:
            nxt = (gbase + SPT - 1) * SCC
            yd = pltpu.async_copy(y_hbm.at[pl.ds(nxt, SCC)], y1, ysem)
            idd = pltpu.async_copy(dst_hbm.at[pl.ds(dst_off + nxt, SCC)],
                                   i1, isem)
            pltpu.async_copy(y0, acc_sp.at[i0], ssem, add=True).wait()
            yd.wait()
            idd.wait()
            pltpu.async_copy(y1, acc_sp.at[i1], ssem, add=True).wait()
        else:
            pltpu.async_copy(y0, acc_sp.at[i0], ssem, add=True).wait()
        @pl.when(wid < SREM)
        def _rem():
            tail = (SPT * NW + wid) * SCC
            pltpu.sync_copy(y_hbm.at[pl.ds(tail, SCC)], y1)
            pltpu.sync_copy(dst_hbm.at[pl.ds(dst_off + tail, SCC)], i1)
            pltpu.async_copy(y1, acc_sp.at[i1], ssem, add=True).wait()

        plsc.subcore_barrier()

        pltpu.sync_copy(acc_sp.at[pl.ds(s * NZ, NZ)],
                        part_hbm.at[c, pl.ds(s * NZ, NZ)])

    return pl.kernel(
        body,
        out_type=jax.ShapeDtypeStruct((NC, NP, D), jnp.float32),
        mesh=plsc.VectorSubcoreMesh(core_axis_name="c", subcore_axis_name="s",
                                    num_cores=NC, num_subcores=NS),
        scratch_types=[
            pltpu.VMEM((SCC, D), jnp.float32),
            pltpu.VMEM((SCC, D), jnp.float32),
            pltpu.VMEM((SCC,), jnp.int32),
            pltpu.VMEM((SCC,), jnp.int32),
            pltpu.VMEM_SHARED((NP, D), jnp.float32),
            pltpu.SemaphoreType.DMA,
            pltpu.SemaphoreType.DMA,
            pltpu.SemaphoreType.DMA,
        ],
    )


_sc_scatter = _make_sc_scatter(0)


BE = 8000
NBLK1 = H1 // BE
NBLK2 = H2 // BE


def _tc_edge_mlp_body(g_ref, e_ref, w_ref, b_ref, y_ref):
    z = jnp.dot(g_ref[...] + e_ref[...], w_ref[...],
                preferred_element_type=jnp.float32) + b_ref[...]
    y_ref[...] = _bent_half(z)


def _tc_edge_mlp_body_alias(g_ref, e_ref, w_ref, b_ref, _y_prev, y_ref):
    _tc_edge_mlp_body(g_ref, e_ref, w_ref, b_ref, y_ref)


def _tc_edge_mlp_half(g, edge_feats, w_e, b_e, blk_off, nblk, y_prev=None):
    args = [g, edge_feats, w_e, b_e]
    in_specs = [
        pl.BlockSpec((BE, D), lambda i: (i, 0)),
        pl.BlockSpec((BE, D), lambda i: (i + blk_off, 0)),
        pl.BlockSpec((D, D), lambda i: (0, 0)),
        pl.BlockSpec((1, D), lambda i: (0, 0)),
    ]
    kwargs = {}
    body = _tc_edge_mlp_body
    if y_prev is not None:
        args.append(y_prev)
        in_specs.append(pl.BlockSpec(memory_space=pl.ANY))
        kwargs["input_output_aliases"] = {4: 0}
        body = _tc_edge_mlp_body_alias
    return pl.pallas_call(
        body,
        grid=(nblk,),
        in_specs=in_specs,
        out_specs=pl.BlockSpec((BE, D), lambda i: (i + blk_off, 0)),
        out_shape=jax.ShapeDtypeStruct((E, D), jnp.float32),
        **kwargs,
    )(*args)


BN = 2000


def _tc_node_mlp_body(x_ref, pa0_ref, pa1_ref,
                      w1_ref, b1_ref, w2_ref, b2_ref, out_ref):
    agg = pa0_ref[0] + pa1_ref[0]
    x = x_ref[...] + agg * 0.1
    z1 = jnp.dot(x * 0.5, w1_ref[...], preferred_element_type=jnp.float32) \
        + b1_ref[...]
    h = (jnp.sqrt(z1 * z1 + 1.0) - 1.0) * 0.5 + z1
    z2 = jnp.dot(h, w2_ref[...], preferred_element_type=jnp.float32) \
        + b2_ref[...]
    out_ref[...] = (jnp.sqrt(z2 * z2 + 1.0) - 1.0) * 0.5 + z2


def _tc_node_mlp(node_feats, parts_a, w_a1, b_a1, w_a2, b_a2):
    return pl.pallas_call(
        _tc_node_mlp_body,
        grid=(N // BN,),
        in_specs=[
            pl.BlockSpec((BN, D), lambda i: (i, 0)),
            pl.BlockSpec((1, BN, D), lambda i: (0, i, 0)),
            pl.BlockSpec((1, BN, D), lambda i: (1, i, 0)),
            pl.BlockSpec((D, D), lambda i: (0, 0)),
            pl.BlockSpec((1, D), lambda i: (0, 0)),
            pl.BlockSpec((D, D), lambda i: (0, 0)),
            pl.BlockSpec((1, D), lambda i: (0, 0)),
        ],
        out_specs=pl.BlockSpec((BN, D), lambda i: (i, 0)),
        out_shape=jax.ShapeDtypeStruct((N, D), jnp.float32),
    )(node_feats, parts_a, parts_a, w_a1, b_a1, w_a2, b_a2)


def kernel(node_feats, edge_feats, edge_index, W_e, b_e, W_a1, b_a1, W_a2, b_a2):
    src = edge_index[0].astype(jnp.int32)
    dst = edge_index[1].astype(jnp.int32)
    g1 = _sc_gather_lo(node_feats, src)
    g2 = _sc_gather_hi(node_feats, src)
    y_lo = _tc_edge_mlp_half(g1, edge_feats, W_e, b_e.reshape(1, D), 0, NBLK1)
    y = _tc_edge_mlp_half(g2, edge_feats, W_e, b_e.reshape(1, D), NBLK1,
                          NBLK2, y_prev=y_lo)
    p1 = _sc_scatter(y, dst)
    x_out = _tc_node_mlp(node_feats, p1, W_a1, b_a1.reshape(1, D),
                         W_a2, b_a2.reshape(1, D))
    return (x_out, y)

# --- scband reference (transcript-rebuilt; emitter-appended) ---
"""Pipeline reference for scband-ginconv-13950053777840 (READ-ONLY COPY).

The authoritative reference and input builder live on the scoring server;
editing this copy changes nothing except your own understanding.
"""

import jax, jax.numpy as jnp
import numpy as np

N = 10000
E = 320000
D = 128

def bent_identity(x):
    # BentIdentity activation: (sqrt(x^2 + 1) - 1) / 2 + x
    return (jnp.sqrt(x * x + 1.0) - 1.0) / 2.0 + x

def setup_inputs(seed: int = 0) -> dict:
    key = jax.random.key(seed)
    k1, k2, k3, k4, k5, k6, k7, k8, k9 = jax.random.split(key, 9)
    node_feats = jax.random.normal(k1, (N, D), dtype=jnp.float32)
    edge_feats = jax.random.normal(k2, (E, D), dtype=jnp.float32)
    edge_index = jax.random.randint(k3, (2, E), 0, N, dtype=jnp.int64)
    # Learned parameters (Linear layers use x @ W.T + b convention folded to x @ W + b here)
    s = 1.0 / np.sqrt(D)
    W_e = jax.random.uniform(k4, (D, D), dtype=jnp.float32, minval=-s, maxval=s)
    b_e = jax.random.uniform(k5, (D,), dtype=jnp.float32, minval=-s, maxval=s)
    W_a1 = jax.random.uniform(k6, (D, D), dtype=jnp.float32, minval=-s, maxval=s)
    b_a1 = jax.random.uniform(k7, (D,), dtype=jnp.float32, minval=-s, maxval=s)
    W_a2 = jax.random.uniform(k8, (D, D), dtype=jnp.float32, minval=-s, maxval=s)
    b_a2 = jax.random.uniform(k9, (D,), dtype=jnp.float32, minval=-s, maxval=s)
    return {
        "node_feats": node_feats,
        "edge_feats": edge_feats,
        "edge_index": edge_index,
        "W_e": W_e, "b_e": b_e,
        "W_a1": W_a1, "b_a1": b_a1,
        "W_a2": W_a2, "b_a2": b_a2,
    }

def reference(node_feats, edge_feats, edge_index, W_e, b_e, W_a1, b_a1, W_a2, b_a2):
    src = edge_index[0]
    dst = edge_index[1]
    # apply_edges: y = edge_update(src_feats + edge_feats) / 2
    msg_in = jnp.take(node_feats, src, axis=0) + edge_feats
    y = bent_identity(msg_in @ W_e + b_e) / 2.0
    # update_all: copy_e('y') -> sum over incoming edges at dst
    agg = jax.ops.segment_sum(y, dst, num_segments=N)
    x = node_feats + agg / 10.0
    # apply_fun: Linear -> Bent -> Linear -> Bent on x/2
    h = bent_identity((x / 2.0) @ W_a1 + b_a1)
    x_out = bent_identity(h @ W_a2 + b_a2)
    return (x_out, y)

if __name__ == "__main__":
    import jax
    _d = setup_inputs()
    print(jax.jit(kernel)(*tuple(_d.values())))

</pallas_src>

<mosaic_0001>
#map = affine_map<(d0, d1) -> (0, 0)>
#map1 = affine_map<(d0, d1) -> (0)>
module attributes {stable_mosaic.version = 14 : i64} {
  func.func @body(%arg0: i32, %arg1: i32, %arg2: memref<10000x128xf32, #tpu.memory_space<hbm>>, %arg3: memref<320000xi32, #tpu.memory_space<hbm>>, %arg4: memref<160000x128xf32, #tpu.memory_space<hbm>>, %arg5: memref<5120xi32, #tpu.memory_space<vmem>>, %arg6: memref<128x128xf32, #tpu.memory_space<vmem>>, %arg7: memref<128x128xf32, #tpu.memory_space<vmem>>, %arg8: memref<!tpu.dma_semaphore, #tpu.memory_space<semaphore_mem>>, %arg9: memref<!tpu.dma_semaphore, #tpu.memory_space<semaphore_mem>>) attributes {dimension_semantics = [#tpu.dimension_semantics<core_parallel>, #tpu.dimension_semantics<subcore_parallel>], iteration_bounds = array<i64: 2, 16>, scalar_prefetch = 0 : i64, scratch_operands = 5 : i64, tpu.core_type = #tpu.core_type<sc_vector_subcore>, window_params = [{transform_indices = #map}, {transform_indices = #map1}, {transform_indices = #map}]} {
    %mul3A = arith.constant 2 : i32
    %mul3A_0 = arith.muli %arg1, %mul3A : i32
    %add3A = arith.addi %mul3A_0, %arg0 : i32
    %mul3A_1 = arith.constant 39 : i32
    %mul3A_2 = arith.muli %add3A, %mul3A_1 : i32
    %mul3A_3 = arith.constant 128 : i32
    %mul3A_4 = arith.muli %mul3A_2, %mul3A_3 : i32
    %add3A_5 = arith.constant 0 : i32
    %add3A_6 = arith.addi %add3A_5, %mul3A_4 : i32
    "tpu.region"() ({
      %run_scoped3A = tpu.sem_alloc : memref<!tpu.dma_semaphore, #tpu.memory_space<semaphore_mem>>
      %dma_start3A_24 = arith.constant 0 : i32
      %dma_start3A_25 = tpu.memref_slice %arg5[%dma_start3A_24] : memref<5120xi32, #tpu.memory_space<vmem>> -> memref<4992xi32, #tpu.memory_space<vmem>>
      %dma_start3A_26 = tpu.memref_slice %arg3[%add3A_6] : memref<320000xi32, #tpu.memory_space<hbm>> -> memref<4992xi32, #tpu.memory_space<hbm>>
      %dma_start3A_27 = arith.constant 0 : i32
      %dma_start3A_28 = tpu.memref_slice %arg5[%dma_start3A_27] : memref<5120xi32, #tpu.memory_space<vmem>> -> memref<4992xi32, #tpu.memory_space<vmem>>
      %dma_start3A_29 = tpu.memref_slice %arg3[%add3A_6] : memref<320000xi32, #tpu.memory_space<hbm>> -> memref<4992xi32, #tpu.memory_space<hbm>>
      tpu.enqueue_dma source(%dma_start3A_29 : memref<4992xi32, #tpu.memory_space<hbm>>) target(%dma_start3A_28 : memref<4992xi32, #tpu.memory_space<vmem>>) target_semaphore(%run_scoped3A : memref<!tpu.dma_semaphore, #tpu.memory_space<semaphore_mem>>)
      %dma_wait3A_30 = arith.constant 0 : i32
      %dma_wait3A_31 = tpu.memref_slice %arg5[%dma_wait3A_30] : memref<5120xi32, #tpu.memory_space<vmem>> -> memref<4992xi32, #tpu.memory_space<vmem>>
      %dma_wait3A_32 = tpu.memref_slice %arg3[%add3A_6] : memref<320000xi32, #tpu.memory_space<hbm>> -> memref<4992xi32, #tpu.memory_space<hbm>>
      %dma_wait3A_33 = arith.constant 0 : i32
      %dma_wait3A_34 = tpu.memref_slice %arg5[%dma_wait3A_33] : memref<5120xi32, #tpu.memory_space<vmem>> -> memref<4992xi32, #tpu.memory_space<vmem>>
      %dma_wait3A_35 = tpu.memref_slice %arg3[%add3A_6] : memref<320000xi32, #tpu.memory_space<hbm>> -> memref<4992xi32, #tpu.memory_space<hbm>>
      tpu.wait_dma2 semaphore(%run_scoped3A : memref<!tpu.dma_semaphore, #tpu.memory_space<semaphore_mem>>) src(%dma_wait3A_35 : memref<4992xi32, #tpu.memory_space<hbm>>) dst(%dma_wait3A_34 : memref<4992xi32, #tpu.memory_space<vmem>>)
      tpu.yield
    }) : () -> ()
    %dma_start3A = arith.constant 0 : i32
    %dma_start3A_7 = tpu.memref_slice %arg5[%dma_start3A] : memref<5120xi32, #tpu.memory_space<vmem>> -> memref<128xi32, #tpu.memory_space<vmem>>
    %dma_start3A_8 = arith.constant 0 : i32
    %dma_start3A_9 = arith.constant 0 : i32
    %dma_start3A_10 = tpu.memref_slice %arg2[%dma_start3A_8, %dma_start3A_9] : memref<10000x128xf32, #tpu.memory_space<hbm>> -> memref<10000x128xf32, #tpu.memory_space<hbm>>
    tpu.enqueue_indirect_dma source(%dma_start3A_10 : memref<10000x128xf32, #tpu.memory_space<hbm>>) target(%arg6 : memref<128x128xf32, #tpu.memory_space<vmem>>) offsets(%dma_start3A_7 : memref<128xi32, #tpu.memory_space<vmem>>) semaphore(%arg8 : memref<!tpu.dma_semaphore, #tpu.memory_space<semaphore_mem>>)
    %dma_wait3A = arith.constant 0 : i32
    %dma_wait3A_11 = tpu.memref_slice %arg5[%dma_wait3A] : memref<5120xi32, #tpu.memory_space<vmem>> -> memref<128xi32, #tpu.memory_space<vmem>>
    %dma_wait3A_12 = arith.constant 0 : i32
    %dma_wait3A_13 = arith.constant 0 : i32
    %dma_wait3A_14 = tpu.memref_slice %arg2[%dma_wait3A_12, %dma_wait3A_13] : memref<10000x128xf32, #tpu.memory_space<hbm>> -> memref<10000x128xf32, #tpu.memory_space<hbm>>
    tpu.wait_indirect_dma semaphore(%arg8 : memref<!tpu.dma_semaphore, #tpu.memory_space<semaphore_mem>>) src(%dma_wait3A_14 : memref<10000x128xf32, #tpu.memory_space<hbm>>) dst(%arg6 : memref<128x128xf32, #tpu.memory_space<vmem>>)
    %scan3A = arith.constant 0 : i32
    %scan3A_15 = arith.constant 0 : i32
    %scan3A_16 = arith.constant 19 : i32
    %scan3A_17 = arith.addi %scan3A_15, %scan3A_16 : i32
    %scan3A_18 = arith.constant 1 : i32
    scf.for %scan3A_24 = %scan3A_15 to %scan3A_17 step %scan3A_18  : i32 {
      %mul3A_25 = arith.constant 2 : i32
      %mul3A_26 = arith.muli %scan3A_24, %mul3A_25 : i32
      %add3A_27 = arith.constant 0 : i32
      %add3A_28 = arith.addi %mul3A_26, %add3A_27 : i32
      %mul3A_29 = arith.constant 128 : i32
      %mul3A_30 = arith.muli %add3A_28, %mul3A_29 : i32
      %add3A_31 = arith.addi %mul3A_4, %mul3A_30 : i32
      %dma_start3A_32 = arith.constant 0 : i32
      %dma_start3A_33 = tpu.memref_slice %arg4[%add3A_31, %dma_start3A_32] : memref<160000x128xf32, #tpu.memory_space<hbm>> -> memref<128x128xf32, #tpu.memory_space<hbm>>
      %dma_start3A_34 = arith.constant 0 : i32
      %dma_start3A_35 = tpu.memref_slice %arg4[%add3A_31, %dma_start3A_34] : memref<160000x128xf32, #tpu.memory_space<hbm>> -> memref<128x128xf32, #tpu.memory_space<hbm>>
      tpu.enqueue_dma source(%arg6 : memref<128x128xf32, #tpu.memory_space<vmem>>) target(%dma_start3A_35 : memref<128x128xf32, #tpu.memory_space<hbm>>) target_semaphore(%arg9 : memref<!tpu.dma_semaphore, #tpu.memory_space<semaphore_mem>>)
      %add3A_36 = arith.constant 1 : i32
      %add3A_37 = arith.addi %add3A_28, %add3A_36 : i32
      %mul3A_38 = arith.constant 128 : i32
      %mul3A_39 = arith.muli %add3A_37, %mul3A_38 : i32
      %dma_start3A_40 = tpu.memref_slice %arg5[%mul3A_39] : memref<5120xi32, #tpu.memory_space<vmem>> -> memref<128xi32, #tpu.memory_space<vmem>>
      %dma_start3A_41 = arith.constant 0 : i32
      %dma_start3A_42 = arith.constant 0 : i32
      %dma_start3A_43 = tpu.memref_slice %arg2[%dma_start3A_41, %dma_start3A_42] : memref<10000x128xf32, #tpu.memory_space<hbm>> -> memref<10000x128xf32, #tpu.memory_space<hbm>>
      tpu.enqueue_indirect_dma source(%dma_start3A_43 : memref<10000x128xf32, #tpu.memory_space<hbm>>) target(%arg7 : memref<128x128xf32, #tpu.memory_space<vmem>>) offsets(%dma_start3A_40 : memref<128xi32, #tpu.memory_space<vmem>>) semaphore(%arg8 : memref<!tpu.dma_semaphore, #tpu.memory_space<semaphore_mem>>)
      %dma_wait3A_44 = tpu.memref_slice %arg5[%mul3A_39] : memref<5120xi32, #tpu.memory_space<vmem>> -> memref<128xi32, #tpu.memory_space<vmem>>
      %dma_wait3A_45 = arith.constant 0 : i32
      %dma_wait3A_46 = arith.constant 0 : i32
      %dma_wait3A_47 = tpu.memref_slice %arg2[%dma_wait3A_45, %dma_wait3A_46] : memref<10000x128xf32, #tpu.memory_space<hbm>> -> memref<10000x128xf32, #tpu.memory_space<hbm>>
      tpu.wait_indirect_dma semaphore(%arg8 : memref<!tpu.dma_semaphore, #tpu.memory_space<semaphore_mem>>) src(%dma_wait3A_47 : memref<10000x128xf32, #tpu.memory_space<hbm>>) dst(%arg7 : memref<128x128xf32, #tpu.memory_space<vmem>>)
      %dma_wait3A_48 = arith.constant 0 : i32
      %dma_wait3A_49 = tpu.memref_slice %arg4[%add3A_31, %dma_wait3A_48] : memref<160000x128xf32, #tpu.memory_space<hbm>> -> memref<128x128xf32, #tpu.memory_space<hbm>>
      %dma_wait3A_50 = arith.constant 0 : i32
      %dma_wait3A_51 = tpu.memref_slice %arg4[%add3A_31, %dma_wait3A_50] : memref<160000x128xf32, #tpu.memory_space<hbm>> -> memref<128x128xf32, #tpu.memory_space<hbm>>
      tpu.wait_dma2 semaphore(%arg9 : memref<!tpu.dma_semaphore, #tpu.memory_space<semaphore_mem>>) src(%arg6 : memref<128x128xf32, #tpu.memory_space<vmem>>) dst(%dma_wait3A_51 : memref<128x128xf32, #tpu.memory_space<hbm>>)
      %add3A_52 = arith.constant 1 : i32
      %add3A_53 = arith.addi %mul3A_26, %add3A_52 : i32
      %mul3A_54 = arith.constant 128 : i32
      %mul3A_55 = arith.muli %add3A_53, %mul3A_54 : i32
      %add3A_56 = arith.addi %mul3A_4, %mul3A_55 : i32
      %dma_start3A_57 = arith.constant 0 : i32
      %dma_start3A_58 = tpu.memref_slice %arg4[%add3A_56, %dma_start3A_57] : memref<160000x128xf32, #tpu.memory_space<hbm>> -> memref<128x128xf32, #tpu.memory_space<hbm>>
      %dma_start3A_59 = arith.constant 0 : i32
      %dma_start3A_60 = tpu.memref_slice %arg4[%add3A_56, %dma_start3A_59] : memref<160000x128xf32, #tpu.memory_space<hbm>> -> memref<128x128xf32, #tpu.memory_space<hbm>>
      tpu.enqueue_dma source(%arg7 : memref<128x128xf32, #tpu.memory_space<vmem>>) target(%dma_start3A_60 : memref<128x128xf32, #tpu.memory_space<hbm>>) target_semaphore(%arg9 : memref<!tpu.dma_semaphore, #tpu.memory_space<semaphore_mem>>)
      %add3A_61 = arith.constant 1 : i32
      %add3A_62 = arith.addi %add3A_53, %add3A_61 : i32
      %mul3A_63 = arith.constant 128 : i32
      %mul3A_64 = arith.muli %add3A_62, %mul3A_63 : i32
      %dma_start3A_65 = tpu.memref_slice %arg5[%mul3A_64] : memref<5120xi32, #tpu.memory_space<vmem>> -> memref<128xi32, #tpu.memory_space<vmem>>
      %dma_start3A_66 = arith.constant 0 : i32
      %dma_start3A_67 = arith.constant 0 : i32
      %dma_start3A_68 = tpu.memref_slice %arg2[%dma_start3A_66, %dma_start3A_67] : memref<10000x128xf32, #tpu.memory_space<hbm>> -> memref<10000x128xf32, #tpu.memory_space<hbm>>
      tpu.enqueue_indirect_dma source(%dma_start3A_68 : memref<10000x128xf32, #tpu.memory_space<hbm>>) target(%arg6 : memref<128x128xf32, #tpu.memory_space<vmem>>) offsets(%dma_start3A_65 : memref<128xi32, #tpu.memory_space<vmem>>) semaphore(%arg8 : memref<!tpu.dma_semaphore, #tpu.memory_space<semaphore_mem>>)
      %dma_wait3A_69 = tpu.memref_slice %arg5[%mul3A_64] : memref<5120xi32, #tpu.memory_space<vmem>> -> memref<128xi32, #tpu.memory_space<vmem>>
      %dma_wait3A_70 = arith.constant 0 : i32
      %dma_wait3A_71 = arith.constant 0 : i32
      %dma_wait3A_72 = tpu.memref_slice %arg2[%dma_wait3A_70, %dma_wait3A_71] : memref<10000x128xf32, #tpu.memory_space<hbm>> -> memref<10000x128xf32, #tpu.memory_space<hbm>>
      tpu.wait_indirect_dma semaphore(%arg8 : memref<!tpu.dma_semaphore, #tpu.memory_space<semaphore_mem>>) src(%dma_wait3A_72 : memref<10000x128xf32, #tpu.memory_space<hbm>>) dst(%arg6 : memref<128x128xf32, #tpu.memory_space<vmem>>)
      %dma_wait3A_73 = arith.constant 0 : i32
      %dma_wait3A_74 = tpu.memref_slice %arg4[%add3A_56, %dma_wait3A_73] : memref<160000x128xf32, #tpu.memory_space<hbm>> -> memref<128x128xf32, #tpu.memory_space<hbm>>
      %dma_wait3A_75 = arith.constant 0 : i32
      %dma_wait3A_76 = tpu.memref_slice %arg4[%add3A_56, %dma_wait3A_75] : memref<160000x128xf32, #tpu.memory_space<hbm>> -> memref<128x128xf32, #tpu.memory_space<hbm>>
      tpu.wait_dma2 semaphore(%arg9 : memref<!tpu.dma_semaphore, #tpu.memory_space<semaphore_mem>>) src(%arg7 : memref<128x128xf32, #tpu.memory_space<vmem>>) dst(%dma_wait3A_76 : memref<128x128xf32, #tpu.memory_space<hbm>>)
    }
    %scan3A_19 = arith.constant 19 : i32
    %add3A_20 = arith.constant 4864 : i32
    %add3A_21 = arith.addi %mul3A_4, %add3A_20 : i32
    "tpu.region"() ({
      %run_scoped3A = tpu.sem_alloc : memref<!tpu.dma_semaphore, #tpu.memory_space<semaphore_mem>>
      %dma_start3A_24 = arith.constant 0 : i32
      %dma_start3A_25 = tpu.memref_slice %arg4[%add3A_21, %dma_start3A_24] : memref<160000x128xf32, #tpu.memory_space<hbm>> -> memref<128x128xf32, #tpu.memory_space<hbm>>
      %dma_start3A_26 = arith.constant 0 : i32
      %dma_start3A_27 = tpu.memref_slice %arg4[%add3A_21, %dma_start3A_26] : memref<160000x128xf32, #tpu.memory_space<hbm>> -> memref<128x128xf32, #tpu.memory_space<hbm>>
      tpu.enqueue_dma source(%arg6 : memref<128x128xf32, #tpu.memory_space<vmem>>) target(%dma_start3A_27 : memref<128x128xf32, #tpu.memory_space<hbm>>) target_semaphore(%run_scoped3A : memref<!tpu.dma_semaphore, #tpu.memory_space<semaphore_mem>>)
      %dma_wait3A_28 = arith.constant 0 : i32
      %dma_wait3A_29 = tpu.memref_slice %arg4[%add3A_21, %dma_wait3A_28] : memref<160000x128xf32, #tpu.memory_space<hbm>> -> memref<128x128xf32, #tpu.memory_space<hbm>>
      %dma_wait3A_30 = arith.constant 0 : i32
      %dma_wait3A_31 = tpu.memref_slice %arg4[%add3A_21, %dma_wait3A_30] : memref<160000x128xf32, #tpu.memory_space<hbm>> -> memref<128x128xf32, #tpu.memory_space<hbm>>
      tpu.wait_dma2 semaphore(%run_scoped3A : memref<!tpu.dma_semaphore, #tpu.memory_space<semaphore_mem>>) src(%arg6 : memref<128x128xf32, #tpu.memory_space<vmem>>) dst(%dma_wait3A_31 : memref<128x128xf32, #tpu.memory_space<hbm>>)
      tpu.yield
    }) : () -> ()
    %lt3A = arith.constant 2 : i32
    %lt3A_22 = arith.cmpi slt, %add3A, %lt3A : i32
    %convert_element_type3A = arith.extui %lt3A_22 : i1 to i32
    %cond3A = arith.constant 0 : i32
    %cond3A_23 = arith.cmpi ne, %convert_element_type3A, %cond3A : i32
    scf.if %cond3A_23 {
      %add3A_24 = arith.constant 1248 : i32
      %add3A_25 = arith.addi %add3A_24, %add3A : i32
      %mul3A_26 = arith.constant 128 : i32
      %mul3A_27 = arith.muli %add3A_25, %mul3A_26 : i32
      %add3A_28 = arith.constant 0 : i32
      %add3A_29 = arith.addi %add3A_28, %mul3A_27 : i32
      "tpu.region"() ({
        %run_scoped3A = tpu.sem_alloc : memref<!tpu.dma_semaphore, #tpu.memory_space<semaphore_mem>>
        %dma_start3A_40 = arith.constant 4992 : i32
        %dma_start3A_41 = tpu.memref_slice %arg5[%dma_start3A_40] : memref<5120xi32, #tpu.memory_space<vmem>> -> memref<128xi32, #tpu.memory_space<vmem>>
        %dma_start3A_42 = tpu.memref_slice %arg3[%add3A_29] : memref<320000xi32, #tpu.memory_space<hbm>> -> memref<128xi32, #tpu.memory_space<hbm>>
        %dma_start3A_43 = arith.constant 4992 : i32
        %dma_start3A_44 = tpu.memref_slice %arg5[%dma_start3A_43] : memref<5120xi32, #tpu.memory_space<vmem>> -> memref<128xi32, #tpu.memory_space<vmem>>
        %dma_start3A_45 = tpu.memref_slice %arg3[%add3A_29] : memref<320000xi32, #tpu.memory_space<hbm>> -> memref<128xi32, #tpu.memory_space<hbm>>
        tpu.enqueue_dma source(%dma_start3A_45 : memref<128xi32, #tpu.memory_space<hbm>>) target(%dma_start3A_44 : memref<128xi32, #tpu.memory_space<vmem>>) target_semaphore(%run_scoped3A : memref<!tpu.dma_semaphore, #tpu.memory_space<semaphore_mem>>)
        %dma_wait3A_46 = arith.constant 4992 : i32
        %dma_wait3A_47 = tpu.memref_slice %arg5[%dma_wait3A_46] : memref<5120xi32, #tpu.memory_space<vmem>> -> memref<128xi32, #tpu.memory_space<vmem>>
        %dma_wait3A_48 = tpu.memref_slice %arg3[%add3A_29] : memref<320000xi32, #tpu.memory_space<hbm>> -> memref<128xi32, #tpu.memory_space<hbm>>
        %dma_wait3A_49 = arith.constant 4992 : i32
        %dma_wait3A_50 = tpu.memref_slice %arg5[%dma_wait3A_49] : memref<5120xi32, #tpu.memory_space<vmem>> -> memref<128xi32, #tpu.memory_space<vmem>>
        %dma_wait3A_51 = tpu.memref_slice %arg3[%add3A_29] : memref<320000xi32, #tpu.memory_space<hbm>> -> memref<128xi32, #tpu.memory_space<hbm>>
        tpu.wait_dma2 semaphore(%run_scoped3A : memref<!tpu.dma_semaphore, #tpu.memory_space<semaphore_mem>>) src(%dma_wait3A_51 : memref<128xi32, #tpu.memory_space<hbm>>) dst(%dma_wait3A_50 : memref<128xi32, #tpu.memory_space<vmem>>)
        tpu.yield
      }) : () -> ()
      %dma_start3A_30 = arith.constant 4992 : i32
      %dma_start3A_31 = tpu.memref_slice %arg5[%dma_start3A_30] : memref<5120xi32, #tpu.memory_space<vmem>> -> memref<128xi32, #tpu.memory_space<vmem>>
      %dma_start3A_32 = arith.constant 0 : i32
      %dma_start3A_33 = arith.constant 0 : i32
      %dma_start3A_34 = tpu.memref_slice %arg2[%dma_start3A_32, %dma_start3A_33] : memref<10000x128xf32, #tpu.memory_space<hbm>> -> memref<10000x128xf32, #tpu.memory_space<hbm>>
      tpu.enqueue_indirect_dma source(%dma_start3A_34 : memref<10000x128xf32, #tpu.memory_space<hbm>>) target(%arg6 : memref<128x128xf32, #tpu.memory_space<vmem>>) offsets(%dma_start3A_31 : memref<128xi32, #tpu.memory_space<vmem>>) semaphore(%arg8 : memref<!tpu.dma_semaphore, #tpu.memory_space<semaphore_mem>>)
      %dma_wait3A_35 = arith.constant 4992 : i32
      %dma_wait3A_36 = tpu.memref_slice %arg5[%dma_wait3A_35] : memref<5120xi32, #tpu.memory_space<vmem>> -> memref<128xi32, #tpu.memory_space<vmem>>
      %dma_wait3A_37 = arith.constant 0 : i32
      %dma_wait3A_38 = arith.constant 0 : i32
      %dma_wait3A_39 = tpu.memref_slice %arg2[%dma_wait3A_37, %dma_wait3A_38] : memref<10000x128xf32, #tpu.memory_space<hbm>> -> memref<10000x128xf32, #tpu.memory_space<hbm>>
      tpu.wait_indirect_dma semaphore(%arg8 : memref<!tpu.dma_semaphore, #tpu.memory_space<semaphore_mem>>) src(%dma_wait3A_39 : memref<10000x128xf32, #tpu.memory_space<hbm>>) dst(%arg6 : memref<128x128xf32, #tpu.memory_space<vmem>>)
      "tpu.region"() ({
        %run_scoped3A = tpu.sem_alloc : memref<!tpu.dma_semaphore, #tpu.memory_space<semaphore_mem>>
        %dma_start3A_40 = arith.constant 0 : i32
        %dma_start3A_41 = tpu.memref_slice %arg4[%mul3A_27, %dma_start3A_40] : memref<160000x128xf32, #tpu.memory_space<hbm>> -> memref<128x128xf32, #tpu.memory_space<hbm>>
        %dma_start3A_42 = arith.constant 0 : i32
        %dma_start3A_43 = tpu.memref_slice %arg4[%mul3A_27, %dma_start3A_42] : memref<160000x128xf32, #tpu.memory_space<hbm>> -> memref<128x128xf32, #tpu.memory_space<hbm>>
        tpu.enqueue_dma source(%arg6 : memref<128x128xf32, #tpu.memory_space<vmem>>) target(%dma_start3A_43 : memref<128x128xf32, #tpu.memory_space<hbm>>) target_semaphore(%run_scoped3A : memref<!tpu.dma_semaphore, #tpu.memory_space<semaphore_mem>>)
        %dma_wait3A_44 = arith.constant 0 : i32
        %dma_wait3A_45 = tpu.memref_slice %arg4[%mul3A_27, %dma_wait3A_44] : memref<160000x128xf32, #tpu.memory_space<hbm>> -> memref<128x128xf32, #tpu.memory_space<hbm>>
        %dma_wait3A_46 = arith.constant 0 : i32
        %dma_wait3A_47 = tpu.memref_slice %arg4[%mul3A_27, %dma_wait3A_46] : memref<160000x128xf32, #tpu.memory_space<hbm>> -> memref<128x128xf32, #tpu.memory_space<hbm>>
        tpu.wait_dma2 semaphore(%run_scoped3A : memref<!tpu.dma_semaphore, #tpu.memory_space<semaphore_mem>>) src(%arg6 : memref<128x128xf32, #tpu.memory_space<vmem>>) dst(%dma_wait3A_47 : memref<128x128xf32, #tpu.memory_space<hbm>>)
        tpu.yield
      }) : () -> ()
    } else {
    }
    return
  }
}

#map = affine_map<(d0, d1) -> (0, 0)>
#map1 = affine_map<(d0, d1) -> (0)>
module attributes {stable_mosaic.version = 14 : i64} {
  func.func @body(%arg0: i32, %arg1: i32, %arg2: memref<10000x128xf32, #tpu.memory_space<hbm>>, %arg3: memref<320000xi32, #tpu.memory_space<hbm>>, %arg4: memref<160000x128xf32, #tpu.memory_space<hbm>>, %arg5: memref<5120xi32, #tpu.memory_space<vmem>>, %arg6: memref<128x128xf32, #tpu.memory_space<vmem>>, %arg7: memref<128x128xf32, #tpu.memory_space<vmem>>, %arg8: memref<!tpu.dma_semaphore, #tpu.memory_space<semaphore_mem>>, %arg9: memref<!tpu.dma_semaphore, #tpu.memory_space<semaphore_mem>>) attributes {dimension_semantics = [#tpu.dimension_semantics<core_parallel>, #tpu.dimension_semantics<subcore_parallel>], iteration_bounds = array<i64: 2, 16>, scalar_prefetch = 0 : i64, scratch_operands = 5 : i64, tpu.core_type = #tpu.core_type<sc_vector_subcore>, window_params = [{transform_indices = #map}, {transform_indices = #map1}, {transform_indices = #map}]} {
    %mul3A = arith.constant 2 : i32
    %mul3A_0 = arith.muli %arg1, %mul3A : i32
    %add3A = arith.addi %mul3A_0, %arg0 : i32
    %mul3A_1 = arith.constant 39 : i32
    %mul3A_2 = arith.muli %add3A, %mul3A_1 : i32
    %mul3A_3 = arith.constant 128 : i32
    %mul3A_4 = arith.muli %mul3A_2, %mul3A_3 : i32
    %add3A_5 = arith.constant 160000 : i32
    %add3A_6 = arith.addi %add3A_5, %mul3A_4 : i32
    "tpu.region"() ({
      %run_scoped3A = tpu.sem_alloc : memref<!tpu.dma_semaphore, #tpu.memory_space<semaphore_mem>>
      %dma_start3A_24 = arith.constant 0 : i32
      %dma_start3A_25 = tpu.memref_slice %arg5[%dma_start3A_24] : memref<5120xi32, #tpu.memory_space<vmem>> -> memref<4992xi32, #tpu.memory_space<vmem>>
      %dma_start3A_26 = tpu.memref_slice %arg3[%add3A_6] : memref<320000xi32, #tpu.memory_space<hbm>> -> memref<4992xi32, #tpu.memory_space<hbm>>
      %dma_start3A_27 = arith.constant 0 : i32
      %dma_start3A_28 = tpu.memref_slice %arg5[%dma_start3A_27] : memref<5120xi32, #tpu.memory_space<vmem>> -> memref<4992xi32, #tpu.memory_space<vmem>>
      %dma_start3A_29 = tpu.memref_slice %arg3[%add3A_6] : memref<320000xi32, #tpu.memory_space<hbm>> -> memref<4992xi32, #tpu.memory_space<hbm>>
      tpu.enqueue_dma source(%dma_start3A_29 : memref<4992xi32, #tpu.memory_space<hbm>>) target(%dma_start3A_28 : memref<4992xi32, #tpu.memory_space<vmem>>) target_semaphore(%run_scoped3A : memref<!tpu.dma_semaphore, #tpu.memory_space<semaphore_mem>>)
      %dma_wait3A_30 = arith.constant 0 : i32
      %dma_wait3A_31 = tpu.memref_slice %arg5[%dma_wait3A_30] : memref<5120xi32, #tpu.memory_space<vmem>> -> memref<4992xi32, #tpu.memory_space<vmem>>
      %dma_wait3A_32 = tpu.memref_slice %arg3[%add3A_6] : memref<320000xi32, #tpu.memory_space<hbm>> -> memref<4992xi32, #tpu.memory_space<hbm>>
      %dma_wait3A_33 = arith.constant 0 : i32
      %dma_wait3A_34 = tpu.memref_slice %arg5[%dma_wait3A_33] : memref<5120xi32, #tpu.memory_space<vmem>> -> memref<4992xi32, #tpu.memory_space<vmem>>
      %dma_wait3A_35 = tpu.memref_slice %arg3[%add3A_6] : memref<320000xi32, #tpu.memory_space<hbm>> -> memref<4992xi32, #tpu.memory_space<hbm>>
      tpu.wait_dma2 semaphore(%run_scoped3A : memref<!tpu.dma_semaphore, #tpu.memory_space<semaphore_mem>>) src(%dma_wait3A_35 : memref<4992xi32, #tpu.memory_space<hbm>>) dst(%dma_wait3A_34 : memref<4992xi32, #tpu.memory_space<vmem>>)
      tpu.yield
    }) : () -> ()
    %dma_start3A = arith.constant 0 : i32
    %dma_start3A_7 = tpu.memref_slice %arg5[%dma_start3A] : memref<5120xi32, #tpu.memory_space<vmem>> -> memref<128xi32, #tpu.memory_space<vmem>>
    %dma_start3A_8 = arith.constant 0 : i32
    %dma_start3A_9 = arith.constant 0 : i32
    %dma_start3A_10 = tpu.memref_slice %arg2[%dma_start3A_8, %dma_start3A_9] : memref<10000x128xf32, #tpu.memory_space<hbm>> -> memref<10000x128xf32, #tpu.memory_space<hbm>>
    tpu.enqueue_indirect_dma source(%dma_start3A_10 : memref<10000x128xf32, #tpu.memory_space<hbm>>) target(%arg6 : memref<128x128xf32, #tpu.memory_space<vmem>>) offsets(%dma_start3A_7 : memref<128xi32, #tpu.memory_space<vmem>>) semaphore(%arg8 : memref<!tpu.dma_semaphore, #tpu.memory_space<semaphore_mem>>)
    %dma_wait3A = arith.constant 0 : i32
    %dma_wait3A_11 = tpu.memref_slice %arg5[%dma_wait3A] : memref<5120xi32, #tpu.memory_space<vmem>> -> memref<128xi32, #tpu.memory_space<vmem>>
    %dma_wait3A_12 = arith.constant 0 : i32
    %dma_wait3A_13 = arith.constant 0 : i32
    %dma_wait3A_14 = tpu.memref_slice %arg2[%dma_wait3A_12, %dma_wait3A_13] : memref<10000x128xf32, #tpu.memory_space<hbm>> -> memref<10000x128xf32, #tpu.memory_space<hbm>>
    tpu.wait_indirect_dma semaphore(%arg8 : memref<!tpu.dma_semaphore, #tpu.memory_space<semaphore_mem>>) src(%dma_wait3A_14 : memref<10000x128xf32, #tpu.memory_space<hbm>>) dst(%arg6 : memref<128x128xf32, #tpu.memory_space<vmem>>)
    %scan3A = arith.constant 0 : i32
    %scan3A_15 = arith.constant 0 : i32
    %scan3A_16 = arith.constant 19 : i32
    %scan3A_17 = arith.addi %scan3A_15, %scan3A_16 : i32
    %scan3A_18 = arith.constant 1 : i32
    scf.for %scan3A_24 = %scan3A_15 to %scan3A_17 step %scan3A_18  : i32 {
      %mul3A_25 = arith.constant 2 : i32
      %mul3A_26 = arith.muli %scan3A_24, %mul3A_25 : i32
      %add3A_27 = arith.constant 0 : i32
      %add3A_28 = arith.addi %mul3A_26, %add3A_27 : i32
      %mul3A_29 = arith.constant 128 : i32
      %mul3A_30 = arith.muli %add3A_28, %mul3A_29 : i32
      %add3A_31 = arith.addi %mul3A_4, %mul3A_30 : i32
      %dma_start3A_32 = arith.constant 0 : i32
      %dma_start3A_33 = tpu.memref_slice %arg4[%add3A_31, %dma_start3A_32] : memref<160000x128xf32, #tpu.memory_space<hbm>> -> memref<128x128xf32, #tpu.memory_space<hbm>>
      %dma_start3A_34 = arith.constant 0 : i32
      %dma_start3A_35 = tpu.memref_slice %arg4[%add3A_31, %dma_start3A_34] : memref<160000x128xf32, #tpu.memory_space<hbm>> -> memref<128x128xf32, #tpu.memory_space<hbm>>
      tpu.enqueue_dma source(%arg6 : memref<128x128xf32, #tpu.memory_space<vmem>>) target(%dma_start3A_35 : memref<128x128xf32, #tpu.memory_space<hbm>>) target_semaphore(%arg9 : memref<!tpu.dma_semaphore, #tpu.memory_space<semaphore_mem>>)
      %add3A_36 = arith.constant 1 : i32
      %add3A_37 = arith.addi %add3A_28, %add3A_36 : i32
      %mul3A_38 = arith.constant 128 : i32
      %mul3A_39 = arith.muli %add3A_37, %mul3A_38 : i32
      %dma_start3A_40 = tpu.memref_slice %arg5[%mul3A_39] : memref<5120xi32, #tpu.memory_space<vmem>> -> memref<128xi32, #tpu.memory_space<vmem>>
      %dma_start3A_41 = arith.constant 0 : i32
      %dma_start3A_42 = arith.constant 0 : i32
      %dma_start3A_43 = tpu.memref_slice %arg2[%dma_start3A_41, %dma_start3A_42] : memref<10000x128xf32, #tpu.memory_space<hbm>> -> memref<10000x128xf32, #tpu.memory_space<hbm>>
      tpu.enqueue_indirect_dma source(%dma_start3A_43 : memref<10000x128xf32, #tpu.memory_space<hbm>>) target(%arg7 : memref<128x128xf32, #tpu.memory_space<vmem>>) offsets(%dma_start3A_40 : memref<128xi32, #tpu.memory_space<vmem>>) semaphore(%arg8 : memref<!tpu.dma_semaphore, #tpu.memory_space<semaphore_mem>>)
      %dma_wait3A_44 = tpu.memref_slice %arg5[%mul3A_39] : memref<5120xi32, #tpu.memory_space<vmem>> -> memref<128xi32, #tpu.memory_space<vmem>>
      %dma_wait3A_45 = arith.constant 0 : i32
      %dma_wait3A_46 = arith.constant 0 : i32
      %dma_wait3A_47 = tpu.memref_slice %arg2[%dma_wait3A_45, %dma_wait3A_46] : memref<10000x128xf32, #tpu.memory_space<hbm>> -> memref<10000x128xf32, #tpu.memory_space<hbm>>
      tpu.wait_indirect_dma semaphore(%arg8 : memref<!tpu.dma_semaphore, #tpu.memory_space<semaphore_mem>>) src(%dma_wait3A_47 : memref<10000x128xf32, #tpu.memory_space<hbm>>) dst(%arg7 : memref<128x128xf32, #tpu.memory_space<vmem>>)
      %dma_wait3A_48 = arith.constant 0 : i32
      %dma_wait3A_49 = tpu.memref_slice %arg4[%add3A_31, %dma_wait3A_48] : memref<160000x128xf32, #tpu.memory_space<hbm>> -> memref<128x128xf32, #tpu.memory_space<hbm>>
      %dma_wait3A_50 = arith.constant 0 : i32
      %dma_wait3A_51 = tpu.memref_slice %arg4[%add3A_31, %dma_wait3A_50] : memref<160000x128xf32, #tpu.memory_space<hbm>> -> memref<128x128xf32, #tpu.memory_space<hbm>>
      tpu.wait_dma2 semaphore(%arg9 : memref<!tpu.dma_semaphore, #tpu.memory_space<semaphore_mem>>) src(%arg6 : memref<128x128xf32, #tpu.memory_space<vmem>>) dst(%dma_wait3A_51 : memref<128x128xf32, #tpu.memory_space<hbm>>)
      %add3A_52 = arith.constant 1 : i32
      %add3A_53 = arith.addi %mul3A_26, %add3A_52 : i32
      %mul3A_54 = arith.constant 128 : i32
      %mul3A_55 = arith.muli %add3A_53, %mul3A_54 : i32
      %add3A_56 = arith.addi %mul3A_4, %mul3A_55 : i32
      %dma_start3A_57 = arith.constant 0 : i32
      %dma_start3A_58 = tpu.memref_slice %arg4[%add3A_56, %dma_start3A_57] : memref<160000x128xf32, #tpu.memory_space<hbm>> -> memref<128x128xf32, #tpu.memory_space<hbm>>
      %dma_start3A_59 = arith.constant 0 : i32
      %dma_start3A_60 = tpu.memref_slice %arg4[%add3A_56, %dma_start3A_59] : memref<160000x128xf32, #tpu.memory_space<hbm>> -> memref<128x128xf32, #tpu.memory_space<hbm>>
      tpu.enqueue_dma source(%arg7 : memref<128x128xf32, #tpu.memory_space<vmem>>) target(%dma_start3A_60 : memref<128x128xf32, #tpu.memory_space<hbm>>) target_semaphore(%arg9 : memref<!tpu.dma_semaphore, #tpu.memory_space<semaphore_mem>>)
      %add3A_61 = arith.constant 1 : i32
      %add3A_62 = arith.addi %add3A_53, %add3A_61 : i32
      %mul3A_63 = arith.constant 128 : i32
      %mul3A_64 = arith.muli %add3A_62, %mul3A_63 : i32
      %dma_start3A_65 = tpu.memref_slice %arg5[%mul3A_64] : memref<5120xi32, #tpu.memory_space<vmem>> -> memref<128xi32, #tpu.memory_space<vmem>>
      %dma_start3A_66 = arith.constant 0 : i32
      %dma_start3A_67 = arith.constant 0 : i32
      %dma_start3A_68 = tpu.memref_slice %arg2[%dma_start3A_66, %dma_start3A_67] : memref<10000x128xf32, #tpu.memory_space<hbm>> -> memref<10000x128xf32, #tpu.memory_space<hbm>>
      tpu.enqueue_indirect_dma source(%dma_start3A_68 : memref<10000x128xf32, #tpu.memory_space<hbm>>) target(%arg6 : memref<128x128xf32, #tpu.memory_space<vmem>>) offsets(%dma_start3A_65 : memref<128xi32, #tpu.memory_space<vmem>>) semaphore(%arg8 : memref<!tpu.dma_semaphore, #tpu.memory_space<semaphore_mem>>)
      %dma_wait3A_69 = tpu.memref_slice %arg5[%mul3A_64] : memref<5120xi32, #tpu.memory_space<vmem>> -> memref<128xi32, #tpu.memory_space<vmem>>
      %dma_wait3A_70 = arith.constant 0 : i32
      %dma_wait3A_71 = arith.constant 0 : i32
      %dma_wait3A_72 = tpu.memref_slice %arg2[%dma_wait3A_70, %dma_wait3A_71] : memref<10000x128xf32, #tpu.memory_space<hbm>> -> memref<10000x128xf32, #tpu.memory_space<hbm>>
      tpu.wait_indirect_dma semaphore(%arg8 : memref<!tpu.dma_semaphore, #tpu.memory_space<semaphore_mem>>) src(%dma_wait3A_72 : memref<10000x128xf32, #tpu.memory_space<hbm>>) dst(%arg6 : memref<128x128xf32, #tpu.memory_space<vmem>>)
      %dma_wait3A_73 = arith.constant 0 : i32
      %dma_wait3A_74 = tpu.memref_slice %arg4[%add3A_56, %dma_wait3A_73] : memref<160000x128xf32, #tpu.memory_space<hbm>> -> memref<128x128xf32, #tpu.memory_space<hbm>>
      %dma_wait3A_75 = arith.constant 0 : i32
      %dma_wait3A_76 = tpu.memref_slice %arg4[%add3A_56, %dma_wait3A_75] : memref<160000x128xf32, #tpu.memory_space<hbm>> -> memref<128x128xf32, #tpu.memory_space<hbm>>
      tpu.wait_dma2 semaphore(%arg9 : memref<!tpu.dma_semaphore, #tpu.memory_space<semaphore_mem>>) src(%arg7 : memref<128x128xf32, #tpu.memory_space<vmem>>) dst(%dma_wait3A_76 : memref<128x128xf32, #tpu.memory_space<hbm>>)
    }
    %scan3A_19 = arith.constant 19 : i32
    %add3A_20 = arith.constant 4864 : i32
    %add3A_21 = arith.addi %mul3A_4, %add3A_20 : i32
    "tpu.region"() ({
      %run_scoped3A = tpu.sem_alloc : memref<!tpu.dma_semaphore, #tpu.memory_space<semaphore_mem>>
      %dma_start3A_24 = arith.constant 0 : i32
      %dma_start3A_25 = tpu.memref_slice %arg4[%add3A_21, %dma_start3A_24] : memref<160000x128xf32, #tpu.memory_space<hbm>> -> memref<128x128xf32, #tpu.memory_space<hbm>>
      %dma_start3A_26 = arith.constant 0 : i32
      %dma_start3A_27 = tpu.memref_slice %arg4[%add3A_21, %dma_start3A_26] : memref<160000x128xf32, #tpu.memory_space<hbm>> -> memref<128x128xf32, #tpu.memory_space<hbm>>
      tpu.enqueue_dma source(%arg6 : memref<128x128xf32, #tpu.memory_space<vmem>>) target(%dma_start3A_27 : memref<128x128xf32, #tpu.memory_space<hbm>>) target_semaphore(%run_scoped3A : memref<!tpu.dma_semaphore, #tpu.memory_space<semaphore_mem>>)
      %dma_wait3A_28 = arith.constant 0 : i32
      %dma_wait3A_29 = tpu.memref_slice %arg4[%add3A_21, %dma_wait3A_28] : memref<160000x128xf32, #tpu.memory_space<hbm>> -> memref<128x128xf32, #tpu.memory_space<hbm>>
      %dma_wait3A_30 = arith.constant 0 : i32
      %dma_wait3A_31 = tpu.memref_slice %arg4[%add3A_21, %dma_wait3A_30] : memref<160000x128xf32, #tpu.memory_space<hbm>> -> memref<128x128xf32, #tpu.memory_space<hbm>>
      tpu.wait_dma2 semaphore(%run_scoped3A : memref<!tpu.dma_semaphore, #tpu.memory_space<semaphore_mem>>) src(%arg6 : memref<128x128xf32, #tpu.memory_space<vmem>>) dst(%dma_wait3A_31 : memref<128x128xf32, #tpu.memory_space<hbm>>)
      tpu.yield
    }) : () -> ()
    %lt3A = arith.constant 2 : i32
    %lt3A_22 = arith.cmpi slt, %add3A, %lt3A : i32
    %convert_element_type3A = arith.extui %lt3A_22 : i1 to i32
    %cond3A = arith.constant 0 : i32
    %cond3A_23 = arith.cmpi ne, %convert_element_type3A, %cond3A : i32
    scf.if %cond3A_23 {
      %add3A_24 = arith.constant 1248 : i32
      %add3A_25 = arith.addi %add3A_24, %add3A : i32
      %mul3A_26 = arith.constant 128 : i32
      %mul3A_27 = arith.muli %add3A_25, %mul3A_26 : i32
      %add3A_28 = arith.constant 160000 : i32
      %add3A_29 = arith.addi %add3A_28, %mul3A_27 : i32
      "tpu.region"() ({
        %run_scoped3A = tpu.sem_alloc : memref<!tpu.dma_semaphore, #tpu.memory_space<semaphore_mem>>
        %dma_start3A_40 = arith.constant 4992 : i32
        %dma_start3A_41 = tpu.memref_slice %arg5[%dma_start3A_40] : memref<5120xi32, #tpu.memory_space<vmem>> -> memref<128xi32, #tpu.memory_space<vmem>>
        %dma_start3A_42 = tpu.memref_slice %arg3[%add3A_29] : memref<320000xi32, #tpu.memory_space<hbm>> -> memref<128xi32, #tpu.memory_space<hbm>>
        %dma_start3A_43 = arith.constant 4992 : i32
        %dma_start3A_44 = tpu.memref_slice %arg5[%dma_start3A_43] : memref<5120xi32, #tpu.memory_space<vmem>> -> memref<128xi32, #tpu.memory_space<vmem>>
        %dma_start3A_45 = tpu.memref_slice %arg3[%add3A_29] : memref<320000xi32, #tpu.memory_space<hbm>> -> memref<128xi32, #tpu.memory_space<hbm>>
        tpu.enqueue_dma source(%dma_start3A_45 : memref<128xi32, #tpu.memory_space<hbm>>) target(%dma_start3A_44 : memref<128xi32, #tpu.memory_space<vmem>>) target_semaphore(%run_scoped3A : memref<!tpu.dma_semaphore, #tpu.memory_space<semaphore_mem>>)
        %dma_wait3A_46 = arith.constant 4992 : i32
        %dma_wait3A_47 = tpu.memref_slice %arg5[%dma_wait3A_46] : memref<5120xi32, #tpu.memory_space<vmem>> -> memref<128xi32, #tpu.memory_space<vmem>>
        %dma_wait3A_48 = tpu.memref_slice %arg3[%add3A_29] : memref<320000xi32, #tpu.memory_space<hbm>> -> memref<128xi32, #tpu.memory_space<hbm>>
        %dma_wait3A_49 = arith.constant 4992 : i32
        %dma_wait3A_50 = tpu.memref_slice %arg5[%dma_wait3A_49] : memref<5120xi32, #tpu.memory_space<vmem>> -> memref<128xi32, #tpu.memory_space<vmem>>
        %dma_wait3A_51 = tpu.memref_slice %arg3[%add3A_29] : memref<320000xi32, #tpu.memory_space<hbm>> -> memref<128xi32, #tpu.memory_space<hbm>>
        tpu.wait_dma2 semaphore(%run_scoped3A : memref<!tpu.dma_semaphore, #tpu.memory_space<semaphore_mem>>) src(%dma_wait3A_51 : memref<128xi32, #tpu.memory_space<hbm>>) dst(%dma_wait3A_50 : memref<128xi32, #tpu.memory_space<vmem>>)
        tpu.yield
      }) : () -> ()
      %dma_start3A_30 = arith.constant 4992 : i32
      %dma_start3A_31 = tpu.memref_slice %arg5[%dma_start3A_30] : memref<5120xi32, #tpu.memory_space<vmem>> -> memref<128xi32, #tpu.memory_space<vmem>>
      %dma_start3A_32 = arith.constant 0 : i32
      %dma_start3A_33 = arith.constant 0 : i32
      %dma_start3A_34 = tpu.memref_slice %arg2[%dma_start3A_32, %dma_start3A_33] : memref<10000x128xf32, #tpu.memory_space<hbm>> -> memref<10000x128xf32, #tpu.memory_space<hbm>>
      tpu.enqueue_indirect_dma source(%dma_start3A_34 : memref<10000x128xf32, #tpu.memory_space<hbm>>) target(%arg6 : memref<128x128xf32, #tpu.memory_space<vmem>>) offsets(%dma_start3A_31 : memref<128xi32, #tpu.memory_space<vmem>>) semaphore(%arg8 : memref<!tpu.dma_semaphore, #tpu.memory_space<semaphore_mem>>)
      %dma_wait3A_35 = arith.constant 4992 : i32
      %dma_wait3A_36 = tpu.memref_slice %arg5[%dma_wait3A_35] : memref<5120xi32, #tpu.memory_space<vmem>> -> memref<128xi32, #tpu.memory_space<vmem>>
      %dma_wait3A_37 = arith.constant 0 : i32
      %dma_wait3A_38 = arith.constant 0 : i32
      %dma_wait3A_39 = tpu.memref_slice %arg2[%dma_wait3A_37, %dma_wait3A_38] : memref<10000x128xf32, #tpu.memory_space<hbm>> -> memref<10000x128xf32, #tpu.memory_space<hbm>>
      tpu.wait_indirect_dma semaphore(%arg8 : memref<!tpu.dma_semaphore, #tpu.memory_space<semaphore_mem>>) src(%dma_wait3A_39 : memref<10000x128xf32, #tpu.memory_space<hbm>>) dst(%arg6 : memref<128x128xf32, #tpu.memory_space<vmem>>)
      "tpu.region"() ({
        %run_scoped3A = tpu.sem_alloc : memref<!tpu.dma_semaphore, #tpu.memory_space<semaphore_mem>>
        %dma_start3A_40 = arith.constant 0 : i32
        %dma_start3A_41 = tpu.memref_slice %arg4[%mul3A_27, %dma_start3A_40] : memref<160000x128xf32, #tpu.memory_space<hbm>> -> memref<128x128xf32, #tpu.memory_space<hbm>>
        %dma_start3A_42 = arith.constant 0 : i32
        %dma_start3A_43 = tpu.memref_slice %arg4[%mul3A_27, %dma_start3A_42] : memref<160000x128xf32, #tpu.memory_space<hbm>> -> memref<128x128xf32, #tpu.memory_space<hbm>>
        tpu.enqueue_dma source(%arg6 : memref<128x128xf32, #tpu.memory_space<vmem>>) target(%dma_start3A_43 : memref<128x128xf32, #tpu.memory_space<hbm>>) target_semaphore(%run_scoped3A : memref<!tpu.dma_semaphore, #tpu.memory_space<semaphore_mem>>)
        %dma_wait3A_44 = arith.constant 0 : i32
        %dma_wait3A_45 = tpu.memref_slice %arg4[%mul3A_27, %dma_wait3A_44] : memref<160000x128xf32, #tpu.memory_space<hbm>> -> memref<128x128xf32, #tpu.memory_space<hbm>>
        %dma_wait3A_46 = arith.constant 0 : i32
        %dma_wait3A_47 = tpu.memref_slice %arg4[%mul3A_27, %dma_wait3A_46] : memref<160000x128xf32, #tpu.memory_space<hbm>> -> memref<128x128xf32, #tpu.memory_space<hbm>>
        tpu.wait_dma2 semaphore(%run_scoped3A : memref<!tpu.dma_semaphore, #tpu.memory_space<semaphore_mem>>) src(%arg6 : memref<128x128xf32, #tpu.memory_space<vmem>>) dst(%dma_wait3A_47 : memref<128x128xf32, #tpu.memory_space<hbm>>)
        tpu.yield
      }) : () -> ()
    } else {
    }
    return
  }
}

#map = affine_map<(d0, d1) -> (0, 0)>
#map1 = affine_map<(d0, d1) -> (0)>
#map2 = affine_map<(d0, d1) -> (0, 0, 0)>
module attributes {stable_mosaic.version = 14 : i64} {
  func.func @body(%arg0: i32, %arg1: i32, %arg2: memref<320000x128xf32, #tpu.memory_space<hbm>>, %arg3: memref<320000xi32, #tpu.memory_space<hbm>>, %arg4: memref<2x10240x128xf32, #tpu.memory_space<hbm>>, %arg5: memref<128x128xf32, #tpu.memory_space<vmem>>, %arg6: memref<128x128xf32, #tpu.memory_space<vmem>>, %arg7: memref<128xi32, #tpu.memory_space<vmem>>, %arg8: memref<128xi32, #tpu.memory_space<vmem>>, %arg9: memref<10240x128xf32, #tpu.memory_space<vmem_shared>>, %arg10: memref<!tpu.dma_semaphore, #tpu.memory_space<semaphore_mem>>, %arg11: memref<!tpu.dma_semaphore, #tpu.memory_space<semaphore_mem>>, %arg12: memref<!tpu.dma_semaphore, #tpu.memory_space<semaphore_mem>>) attributes {dimension_semantics = [#tpu.dimension_semantics<core_parallel>, #tpu.dimension_semantics<subcore_parallel>], iteration_bounds = array<i64: 2, 16>, scalar_prefetch = 0 : i64, scratch_operands = 8 : i64, tpu.core_type = #tpu.core_type<sc_vector_subcore>, window_params = [{transform_indices = #map}, {transform_indices = #map1}, {transform_indices = #map2}]} {
    %mul3A = arith.constant 2 : i32
    %mul3A_0 = arith.muli %arg1, %mul3A : i32
    %add3A = arith.addi %mul3A_0, %arg0 : i32
    %mul3A_1 = arith.constant 78 : i32
    %mul3A_2 = arith.muli %add3A, %mul3A_1 : i32
    %scan3A = arith.constant 0 : i32
    %scan3A_3 = arith.constant 0 : i32
    %scan3A_4 = arith.constant 128 : i32
    %scan3A_5 = arith.addi %scan3A_3, %scan3A_4 : i32
    %scan3A_6 = arith.constant 1 : i32
    scf.for %scan3A_76 = %scan3A_3 to %scan3A_5 step %scan3A_6  : i32 {
      %broadcast_in_dim3A = arith.constant 0.000000e+00 : f32
      %broadcast_in_dim3A_77 = vector.broadcast %broadcast_in_dim3A : f32 to vector<16xf32>
      %swap3A = arith.index_cast %scan3A_76 : i32 to index
      %swap3A_78 = arith.constant 0 : index
      %swap3A_79 = tpu.vector_load %arg5[%swap3A, %swap3A_78] {strides = array<i32>} : memref<128x128xf32, #tpu.memory_space<vmem>>, vector<1x16xf32>,
      %swap3A_80 = vector.shape_cast %swap3A_79 : vector<1x16xf32> to vector<16xf32>
      %swap3A_81 = vector.shape_cast %broadcast_in_dim3A_77 : vector<16xf32> to vector<1x16xf32>
      tpu.vector_store %arg5[%swap3A, %swap3A_78], %swap3A_81 {strides = array<i32>} : memref<128x128xf32, #tpu.memory_space<vmem>>, vector<1x16xf32>,
      %broadcast_in_dim3A_82 = arith.constant 0.000000e+00 : f32
      %broadcast_in_dim3A_83 = vector.broadcast %broadcast_in_dim3A_82 : f32 to vector<16xf32>
      %swap3A_84 = arith.index_cast %scan3A_76 : i32 to index
      %swap3A_85 = arith.constant 16 : index
      %swap3A_86 = tpu.vector_load %arg5[%swap3A_84, %swap3A_85] {strides = array<i32>} : memref<128x128xf32, #tpu.memory_space<vmem>>, vector<1x16xf32>,
      %swap3A_87 = vector.shape_cast %swap3A_86 : vector<1x16xf32> to vector<16xf32>
      %swap3A_88 = vector.shape_cast %broadcast_in_dim3A_83 : vector<16xf32> to vector<1x16xf32>
      tpu.vector_store %arg5[%swap3A_84, %swap3A_85], %swap3A_88 {strides = array<i32>} : memref<128x128xf32, #tpu.memory_space<vmem>>, vector<1x16xf32>,
      %broadcast_in_dim3A_89 = arith.constant 0.000000e+00 : f32
      %broadcast_in_dim3A_90 = vector.broadcast %broadcast_in_dim3A_89 : f32 to vector<16xf32>
      %swap3A_91 = arith.index_cast %scan3A_76 : i32 to index
      %swap3A_92 = arith.constant 32 : index
      %swap3A_93 = tpu.vector_load %arg5[%swap3A_91, %swap3A_92] {strides = array<i32>} : memref<128x128xf32, #tpu.memory_space<vmem>>, vector<1x16xf32>,
      %swap3A_94 = vector.shape_cast %swap3A_93 : vector<1x16xf32> to vector<16xf32>
      %swap3A_95 = vector.shape_cast %broadcast_in_dim3A_90 : vector<16xf32> to vector<1x16xf32>
      tpu.vector_store %arg5[%swap3A_91, %swap3A_92], %swap3A_95 {strides = array<i32>} : memref<128x128xf32, #tpu.memory_space<vmem>>, vector<1x16xf32>,
      %broadcast_in_dim3A_96 = arith.constant 0.000000e+00 : f32
      %broadcast_in_dim3A_97 = vector.broadcast %broadcast_in_dim3A_96 : f32 to vector<16xf32>
      %swap3A_98 = arith.index_cast %scan3A_76 : i32 to index
      %swap3A_99 = arith.constant 48 : index
      %swap3A_100 = tpu.vector_load %arg5[%swap3A_98, %swap3A_99] {strides = array<i32>} : memref<128x128xf32, #tpu.memory_space<vmem>>, vector<1x16xf32>,
      %swap3A_101 = vector.shape_cast %swap3A_100 : vector<1x16xf32> to vector<16xf32>
      %swap3A_102 = vector.shape_cast %broadcast_in_dim3A_97 : vector<16xf32> to vector<1x16xf32>
      tpu.vector_store %arg5[%swap3A_98, %swap3A_99], %swap3A_102 {strides = array<i32>} : memref<128x128xf32, #tpu.memory_space<vmem>>, vector<1x16xf32>,
      %broadcast_in_dim3A_103 = arith.constant 0.000000e+00 : f32
      %broadcast_in_dim3A_104 = vector.broadcast %broadcast_in_dim3A_103 : f32 to vector<16xf32>
      %swap3A_105 = arith.index_cast %scan3A_76 : i32 to index
      %swap3A_106 = arith.constant 64 : index
      %swap3A_107 = tpu.vector_load %arg5[%swap3A_105, %swap3A_106] {strides = array<i32>} : memref<128x128xf32, #tpu.memory_space<vmem>>, vector<1x16xf32>,
      %swap3A_108 = vector.shape_cast %swap3A_107 : vector<1x16xf32> to vector<16xf32>
      %swap3A_109 = vector.shape_cast %broadcast_in_dim3A_104 : vector<16xf32> to vector<1x16xf32>
      tpu.vector_store %arg5[%swap3A_105, %swap3A_106], %swap3A_109 {strides = array<i32>} : memref<128x128xf32, #tpu.memory_space<vmem>>, vector<1x16xf32>,
      %broadcast_in_dim3A_110 = arith.constant 0.000000e+00 : f32
      %broadcast_in_dim3A_111 = vector.broadcast %broadcast_in_dim3A_110 : f32 to vector<16xf32>
      %swap3A_112 = arith.index_cast %scan3A_76 : i32 to index
      %swap3A_113 = arith.constant 80 : index
      %swap3A_114 = tpu.vector_load %arg5[%swap3A_112, %swap3A_113] {strides = array<i32>} : memref<128x128xf32, #tpu.memory_space<vmem>>, vector<1x16xf32>,
      %swap3A_115 = vector.shape_cast %swap3A_114 : vector<1x16xf32> to vector<16xf32>
      %swap3A_116 = vector.shape_cast %broadcast_in_dim3A_111 : vector<16xf32> to vector<1x16xf32>
      tpu.vector_store %arg5[%swap3A_112, %swap3A_113], %swap3A_116 {strides = array<i32>} : memref<128x128xf32, #tpu.memory_space<vmem>>, vector<1x16xf32>,
      %broadcast_in_dim3A_117 = arith.constant 0.000000e+00 : f32
      %broadcast_in_dim3A_118 = vector.broadcast %broadcast_in_dim3A_117 : f32 to vector<16xf32>
      %swap3A_119 = arith.index_cast %scan3A_76 : i32 to index
      %swap3A_120 = arith.constant 96 : index
      %swap3A_121 = tpu.vector_load %arg5[%swap3A_119, %swap3A_120] {strides = array<i32>} : memref<128x128xf32, #tpu.memory_space<vmem>>, vector<1x16xf32>,
      %swap3A_122 = vector.shape_cast %swap3A_121 : vector<1x16xf32> to vector<16xf32>
      %swap3A_123 = vector.shape_cast %broadcast_in_dim3A_118 : vector<16xf32> to vector<1x16xf32>
      tpu.vector_store %arg5[%swap3A_119, %swap3A_120], %swap3A_123 {strides = array<i32>} : memref<128x128xf32, #tpu.memory_space<vmem>>, vector<1x16xf32>,
      %broadcast_in_dim3A_124 = arith.constant 0.000000e+00 : f32
      %broadcast_in_dim3A_125 = vector.broadcast %broadcast_in_dim3A_124 : f32 to vector<16xf32>
      %swap3A_126 = arith.index_cast %scan3A_76 : i32 to index
      %swap3A_127 = arith.constant 112 : index
      %swap3A_128 = tpu.vector_load %arg5[%swap3A_126, %swap3A_127] {strides = array<i32>} : memref<128x128xf32, #tpu.memory_space<vmem>>, vector<1x16xf32>,
      %swap3A_129 = vector.shape_cast %swap3A_128 : vector<1x16xf32> to vector<16xf32>
      %swap3A_130 = vector.shape_cast %broadcast_in_dim3A_125 : vector<16xf32> to vector<1x16xf32>
      tpu.vector_store %arg5[%swap3A_126, %swap3A_127], %swap3A_130 {strides = array<i32>} : memref<128x128xf32, #tpu.memory_space<vmem>>, vector<1x16xf32>,
    }
    %scan3A_7 = arith.constant 128 : i32
    %mul3A_8 = arith.constant 640 : i32
    %mul3A_9 = arith.muli %arg1, %mul3A_8 : i32
    %add3A_10 = arith.constant 0 : i32
    %add3A_11 = arith.addi %mul3A_9, %add3A_10 : i32
    "tpu.region"() ({
      %run_scoped3A = tpu.sem_alloc : memref<!tpu.dma_semaphore, #tpu.memory_space<semaphore_mem>>
      %dma_start3A_76 = arith.constant 0 : i32
      %dma_start3A_77 = tpu.memref_slice %arg9[%add3A_11, %dma_start3A_76] : memref<10240x128xf32, #tpu.memory_space<vmem_shared>> -> memref<128x128xf32, #tpu.memory_space<vmem_shared>>
      %dma_start3A_78 = arith.constant 0 : i32
      %dma_start3A_79 = tpu.memref_slice %arg9[%add3A_11, %dma_start3A_78] : memref<10240x128xf32, #tpu.memory_space<vmem_shared>> -> memref<128x128xf32, #tpu.memory_space<vmem_shared>>
      tpu.enqueue_dma source(%arg5 : memref<128x128xf32, #tpu.memory_space<vmem>>) target(%dma_start3A_79 : memref<128x128xf32, #tpu.memory_space<vmem_shared>>) target_semaphore(%run_scoped3A : memref<!tpu.dma_semaphore, #tpu.memory_space<semaphore_mem>>)
      %dma_wait3A_80 = arith.constant 0 : i32
      %dma_wait3A_81 = tpu.memref_slice %arg9[%add3A_11, %dma_wait3A_80] : memref<10240x128xf32, #tpu.memory_space<vmem_shared>> -> memref<128x128xf32, #tpu.memory_space<vmem_shared>>
      %dma_wait3A_82 = arith.constant 0 : i32
      %dma_wait3A_83 = tpu.memref_slice %arg9[%add3A_11, %dma_wait3A_82] : memref<10240x128xf32, #tpu.memory_space<vmem_shared>> -> memref<128x128xf32, #tpu.memory_space<vmem_shared>>
      tpu.wait_dma2 semaphore(%run_scoped3A : memref<!tpu.dma_semaphore, #tpu.memory_space<semaphore_mem>>) src(%arg5 : memref<128x128xf32, #tpu.memory_space<vmem>>) dst(%dma_wait3A_83 : memref<128x128xf32, #tpu.memory_space<vmem_shared>>)
      tpu.yield
    }) : () -> ()
    %mul3A_12 = arith.constant 640 : i32
    %mul3A_13 = arith.muli %arg1, %mul3A_12 : i32
    %add3A_14 = arith.constant 128 : i32
    %add3A_15 = arith.addi %mul3A_13, %add3A_14 : i32
    "tpu.region"() ({
      %run_scoped3A = tpu.sem_alloc : memref<!tpu.dma_semaphore, #tpu.memory_space<semaphore_mem>>
      %dma_start3A_76 = arith.constant 0 : i32
      %dma_start3A_77 = tpu.memref_slice %arg9[%add3A_15, %dma_start3A_76] : memref<10240x128xf32, #tpu.memory_space<vmem_shared>> -> memref<128x128xf32, #tpu.memory_space<vmem_shared>>
      %dma_start3A_78 = arith.constant 0 : i32
      %dma_start3A_79 = tpu.memref_slice %arg9[%add3A_15, %dma_start3A_78] : memref<10240x128xf32, #tpu.memory_space<vmem_shared>> -> memref<128x128xf32, #tpu.memory_space<vmem_shared>>
      tpu.enqueue_dma source(%arg5 : memref<128x128xf32, #tpu.memory_space<vmem>>) target(%dma_start3A_79 : memref<128x128xf32, #tpu.memory_space<vmem_shared>>) target_semaphore(%run_scoped3A : memref<!tpu.dma_semaphore, #tpu.memory_space<semaphore_mem>>)
      %dma_wait3A_80 = arith.constant 0 : i32
      %dma_wait3A_81 = tpu.memref_slice %arg9[%add3A_15, %dma_wait3A_80] : memref<10240x128xf32, #tpu.memory_space<vmem_shared>> -> memref<128x128xf32, #tpu.memory_space<vmem_shared>>
      %dma_wait3A_82 = arith.constant 0 : i32
      %dma_wait3A_83 = tpu.memref_slice %arg9[%add3A_15, %dma_wait3A_82] : memref<10240x128xf32, #tpu.memory_space<vmem_shared>> -> memref<128x128xf32, #tpu.memory_space<vmem_shared>>
      tpu.wait_dma2 semaphore(%run_scoped3A : memref<!tpu.dma_semaphore, #tpu.memory_space<semaphore_mem>>) src(%arg5 : memref<128x128xf32, #tpu.memory_space<vmem>>) dst(%dma_wait3A_83 : memref<128x128xf32, #tpu.memory_space<vmem_shared>>)
      tpu.yield
    }) : () -> ()
    %mul3A_16 = arith.constant 640 : i32
    %mul3A_17 = arith.muli %arg1, %mul3A_16 : i32
    %add3A_18 = arith.constant 256 : i32
    %add3A_19 = arith.addi %mul3A_17, %add3A_18 : i32
    "tpu.region"() ({
      %run_scoped3A = tpu.sem_alloc : memref<!tpu.dma_semaphore, #tpu.memory_space<semaphore_mem>>
      %dma_start3A_76 = arith.constant 0 : i32
      %dma_start3A_77 = tpu.memref_slice %arg9[%add3A_19, %dma_start3A_76] : memref<10240x128xf32, #tpu.memory_space<vmem_shared>> -> memref<128x128xf32, #tpu.memory_space<vmem_shared>>
      %dma_start3A_78 = arith.constant 0 : i32
      %dma_start3A_79 = tpu.memref_slice %arg9[%add3A_19, %dma_start3A_78] : memref<10240x128xf32, #tpu.memory_space<vmem_shared>> -> memref<128x128xf32, #tpu.memory_space<vmem_shared>>
      tpu.enqueue_dma source(%arg5 : memref<128x128xf32, #tpu.memory_space<vmem>>) target(%dma_start3A_79 : memref<128x128xf32, #tpu.memory_space<vmem_shared>>) target_semaphore(%run_scoped3A : memref<!tpu.dma_semaphore, #tpu.memory_space<semaphore_mem>>)
      %dma_wait3A_80 = arith.constant 0 : i32
      %dma_wait3A_81 = tpu.memref_slice %arg9[%add3A_19, %dma_wait3A_80] : memref<10240x128xf32, #tpu.memory_space<vmem_shared>> -> memref<128x128xf32, #tpu.memory_space<vmem_shared>>
      %dma_wait3A_82 = arith.constant 0 : i32
      %dma_wait3A_83 = tpu.memref_slice %arg9[%add3A_19, %dma_wait3A_82] : memref<10240x128xf32, #tpu.memory_space<vmem_shared>> -> memref<128x128xf32, #tpu.memory_space<vmem_shared>>
      tpu.wait_dma2 semaphore(%run_scoped3A : memref<!tpu.dma_semaphore, #tpu.memory_space<semaphore_mem>>) src(%arg5 : memref<128x128xf32, #tpu.memory_space<vmem>>) dst(%dma_wait3A_83 : memref<128x128xf32, #tpu.memory_space<vmem_shared>>)
      tpu.yield
    }) : () -> ()
    %mul3A_20 = arith.constant 640 : i32
    %mul3A_21 = arith.muli %arg1, %mul3A_20 : i32
    %add3A_22 = arith.constant 384 : i32
    %add3A_23 = arith.addi %mul3A_21, %add3A_22 : i32
    "tpu.region"() ({
      %run_scoped3A = tpu.sem_alloc : memref<!tpu.dma_semaphore, #tpu.memory_space<semaphore_mem>>
      %dma_start3A_76 = arith.constant 0 : i32
      %dma_start3A_77 = tpu.memref_slice %arg9[%add3A_23, %dma_start3A_76] : memref<10240x128xf32, #tpu.memory_space<vmem_shared>> -> memref<128x128xf32, #tpu.memory_space<vmem_shared>>
      %dma_start3A_78 = arith.constant 0 : i32
      %dma_start3A_79 = tpu.memref_slice %arg9[%add3A_23, %dma_start3A_78] : memref<10240x128xf32, #tpu.memory_space<vmem_shared>> -> memref<128x128xf32, #tpu.memory_space<vmem_shared>>
      tpu.enqueue_dma source(%arg5 : memref<128x128xf32, #tpu.memory_space<vmem>>) target(%dma_start3A_79 : memref<128x128xf32, #tpu.memory_space<vmem_shared>>) target_semaphore(%run_scoped3A : memref<!tpu.dma_semaphore, #tpu.memory_space<semaphore_mem>>)
      %dma_wait3A_80 = arith.constant 0 : i32
      %dma_wait3A_81 = tpu.memref_slice %arg9[%add3A_23, %dma_wait3A_80] : memref<10240x128xf32, #tpu.memory_space<vmem_shared>> -> memref<128x128xf32, #tpu.memory_space<vmem_shared>>
      %dma_wait3A_82 = arith.constant 0 : i32
      %dma_wait3A_83 = tpu.memref_slice %arg9[%add3A_23, %dma_wait3A_82] : memref<10240x128xf32, #tpu.memory_space<vmem_shared>> -> memref<128x128xf32, #tpu.memory_space<vmem_shared>>
      tpu.wait_dma2 semaphore(%run_scoped3A : memref<!tpu.dma_semaphore, #tpu.memory_space<semaphore_mem>>) src(%arg5 : memref<128x128xf32, #tpu.memory_space<vmem>>) dst(%dma_wait3A_83 : memref<128x128xf32, #tpu.memory_space<vmem_shared>>)
      tpu.yield
    }) : () -> ()
    %mul3A_24 = arith.constant 640 : i32
    %mul3A_25 = arith.muli %arg1, %mul3A_24 : i32
    %add3A_26 = arith.constant 512 : i32
    %add3A_27 = arith.addi %mul3A_25, %add3A_26 : i32
    "tpu.region"() ({
      %run_scoped3A = tpu.sem_alloc : memref<!tpu.dma_semaphore, #tpu.memory_space<semaphore_mem>>
      %dma_start3A_76 = arith.constant 0 : i32
      %dma_start3A_77 = tpu.memref_slice %arg9[%add3A_27, %dma_start3A_76] : memref<10240x128xf32, #tpu.memory_space<vmem_shared>> -> memref<128x128xf32, #tpu.memory_space<vmem_shared>>
      %dma_start3A_78 = arith.constant 0 : i32
      %dma_start3A_79 = tpu.memref_slice %arg9[%add3A_27, %dma_start3A_78] : memref<10240x128xf32, #tpu.memory_space<vmem_shared>> -> memref<128x128xf32, #tpu.memory_space<vmem_shared>>
      tpu.enqueue_dma source(%arg5 : memref<128x128xf32, #tpu.memory_space<vmem>>) target(%dma_start3A_79 : memref<128x128xf32, #tpu.memory_space<vmem_shared>>) target_semaphore(%run_scoped3A : memref<!tpu.dma_semaphore, #tpu.memory_space<semaphore_mem>>)
      %dma_wait3A_80 = arith.constant 0 : i32
      %dma_wait3A_81 = tpu.memref_slice %arg9[%add3A_27, %dma_wait3A_80] : memref<10240x128xf32, #tpu.memory_space<vmem_shared>> -> memref<128x128xf32, #tpu.memory_space<vmem_shared>>
      %dma_wait3A_82 = arith.constant 0 : i32
      %dma_wait3A_83 = tpu.memref_slice %arg9[%add3A_27, %dma_wait3A_82] : memref<10240x128xf32, #tpu.memory_space<vmem_shared>> -> memref<128x128xf32, #tpu.memory_space<vmem_shared>>
      tpu.wait_dma2 semaphore(%run_scoped3A : memref<!tpu.dma_semaphore, #tpu.memory_space<semaphore_mem>>) src(%arg5 : memref<128x128xf32, #tpu.memory_space<vmem>>) dst(%dma_wait3A_83 : memref<128x128xf32, #tpu.memory_space<vmem_shared>>)
      tpu.yield
    }) : () -> ()
    %barrier3A = arith.constant 0 : index
    tpu.barrier barrier_id(%barrier3A)
    %mul3A_28 = arith.constant 128 : i32
    %mul3A_29 = arith.muli %mul3A_2, %mul3A_28 : i32
    "tpu.region"() ({
      %run_scoped3A = tpu.sem_alloc : memref<!tpu.dma_semaphore, #tpu.memory_space<semaphore_mem>>
      %dma_start3A_76 = arith.constant 0 : i32
      %dma_start3A_77 = tpu.memref_slice %arg2[%mul3A_29, %dma_start3A_76] : memref<320000x128xf32, #tpu.memory_space<hbm>> -> memref<128x128xf32, #tpu.memory_space<hbm>>
      %dma_start3A_78 = arith.constant 0 : i32
      %dma_start3A_79 = tpu.memref_slice %arg2[%mul3A_29, %dma_start3A_78] : memref<320000x128xf32, #tpu.memory_space<hbm>> -> memref<128x128xf32, #tpu.memory_space<hbm>>
      tpu.enqueue_dma source(%dma_start3A_79 : memref<128x128xf32, #tpu.memory_space<hbm>>) target(%arg5 : memref<128x128xf32, #tpu.memory_space<vmem>>) target_semaphore(%run_scoped3A : memref<!tpu.dma_semaphore, #tpu.memory_space<semaphore_mem>>)
      %dma_wait3A_80 = arith.constant 0 : i32
      %dma_wait3A_81 = tpu.memref_slice %arg2[%mul3A_29, %dma_wait3A_80] : memref<320000x128xf32, #tpu.memory_space<hbm>> -> memref<128x128xf32, #tpu.memory_space<hbm>>
      %dma_wait3A_82 = arith.constant 0 : i32
      %dma_wait3A_83 = tpu.memref_slice %arg2[%mul3A_29, %dma_wait3A_82] : memref<320000x128xf32, #tpu.memory_space<hbm>> -> memref<128x128xf32, #tpu.memory_space<hbm>>
      tpu.wait_dma2 semaphore(%run_scoped3A : memref<!tpu.dma_semaphore, #tpu.memory_space<semaphore_mem>>) src(%dma_wait3A_83 : memref<128x128xf32, #tpu.memory_space<hbm>>) dst(%arg5 : memref<128x128xf32, #tpu.memory_space<vmem>>)
      tpu.yield
    }) : () -> ()
    %mul3A_30 = arith.constant 128 : i32
    %mul3A_31 = arith.muli %mul3A_2, %mul3A_30 : i32
    %add3A_32 = arith.constant 0 : i32
    %add3A_33 = arith.addi %add3A_32, %mul3A_31 : i32
    "tpu.region"() ({
      %run_scoped3A = tpu.sem_alloc : memref<!tpu.dma_semaphore, #tpu.memory_space<semaphore_mem>>
      %dma_start3A_76 = tpu.memref_slice %arg3[%add3A_33] : memref<320000xi32, #tpu.memory_space<hbm>> -> memref<128xi32, #tpu.memory_space<hbm>>
      %dma_start3A_77 = tpu.memref_slice %arg3[%add3A_33] : memref<320000xi32, #tpu.memory_space<hbm>> -> memref<128xi32, #tpu.memory_space<hbm>>
      tpu.enqueue_dma source(%dma_start3A_77 : memref<128xi32, #tpu.memory_space<hbm>>) target(%arg7 : memref<128xi32, #tpu.memory_space<vmem>>) target_semaphore(%run_scoped3A : memref<!tpu.dma_semaphore, #tpu.memory_space<semaphore_mem>>)
      %dma_wait3A_78 = tpu.memref_slice %arg3[%add3A_33] : memref<320000xi32, #tpu.memory_space<hbm>> -> memref<128xi32, #tpu.memory_space<hbm>>
      %dma_wait3A_79 = tpu.memref_slice %arg3[%add3A_33] : memref<320000xi32, #tpu.memory_space<hbm>> -> memref<128xi32, #tpu.memory_space<hbm>>
      tpu.wait_dma2 semaphore(%run_scoped3A : memref<!tpu.dma_semaphore, #tpu.memory_space<semaphore_mem>>) src(%dma_wait3A_79 : memref<128xi32, #tpu.memory_space<hbm>>) dst(%arg7 : memref<128xi32, #tpu.memory_space<vmem>>)
      tpu.yield
    }) : () -> ()
    %scan3A_34 = arith.constant 0 : i32
    %scan3A_35 = arith.constant 0 : i32
    %scan3A_36 = arith.constant 38 : i32
    %scan3A_37 = arith.addi %scan3A_35, %scan3A_36 : i32
    %scan3A_38 = arith.constant 1 : i32
    scf.for %scan3A_76 = %scan3A_35 to %scan3A_37 step %scan3A_38  : i32 {
      %mul3A_77 = arith.constant 2 : i32
      %mul3A_78 = arith.muli %scan3A_76, %mul3A_77 : i32
      %add3A_79 = arith.constant 0 : i32
      %add3A_80 = arith.addi %mul3A_78, %add3A_79 : i32
      %add3A_81 = arith.addi %mul3A_2, %add3A_80 : i32
      %add3A_82 = arith.constant 1 : i32
      %add3A_83 = arith.addi %add3A_81, %add3A_82 : i32
      %mul3A_84 = arith.constant 128 : i32
      %mul3A_85 = arith.muli %add3A_83, %mul3A_84 : i32
      %dma_start3A_86 = arith.constant 0 : i32
      %dma_start3A_87 = tpu.memref_slice %arg2[%mul3A_85, %dma_start3A_86] : memref<320000x128xf32, #tpu.memory_space<hbm>> -> memref<128x128xf32, #tpu.memory_space<hbm>>
      %dma_start3A_88 = arith.constant 0 : i32
      %dma_start3A_89 = tpu.memref_slice %arg2[%mul3A_85, %dma_start3A_88] : memref<320000x128xf32, #tpu.memory_space<hbm>> -> memref<128x128xf32, #tpu.memory_space<hbm>>
      tpu.enqueue_dma source(%dma_start3A_89 : memref<128x128xf32, #tpu.memory_space<hbm>>) target(%arg6 : memref<128x128xf32, #tpu.memory_space<vmem>>) target_semaphore(%arg10 : memref<!tpu.dma_semaphore, #tpu.memory_space<semaphore_mem>>)
      %add3A_90 = arith.constant 0 : i32
      %add3A_91 = arith.addi %add3A_90, %mul3A_85 : i32
      %dma_start3A_92 = tpu.memref_slice %arg3[%add3A_91] : memref<320000xi32, #tpu.memory_space<hbm>> -> memref<128xi32, #tpu.memory_space<hbm>>
      %dma_start3A_93 = tpu.memref_slice %arg3[%add3A_91] : memref<320000xi32, #tpu.memory_space<hbm>> -> memref<128xi32, #tpu.memory_space<hbm>>
      tpu.enqueue_dma source(%dma_start3A_93 : memref<128xi32, #tpu.memory_space<hbm>>) target(%arg8 : memref<128xi32, #tpu.memory_space<vmem>>) target_semaphore(%arg11 : memref<!tpu.dma_semaphore, #tpu.memory_space<semaphore_mem>>)
      %dma_start3A_94 = arith.constant 0 : i32
      %dma_start3A_95 = arith.constant 0 : i32
      %dma_start3A_96 = tpu.memref_slice %arg9[%dma_start3A_94, %dma_start3A_95] : memref<10240x128xf32, #tpu.memory_space<vmem_shared>> -> memref<10240x128xf32, #tpu.memory_space<vmem_shared>>
      tpu.enqueue_indirect_dma source(%arg5 : memref<128x128xf32, #tpu.memory_space<vmem>>) target(%dma_start3A_96 : memref<10240x128xf32, #tpu.memory_space<vmem_shared>>) offsets(%arg7 : memref<128xi32, #tpu.memory_space<vmem>>) semaphore(%arg12 : memref<!tpu.dma_semaphore, #tpu.memory_space<semaphore_mem>>) {add = true}
      %dma_wait3A_97 = arith.constant 0 : i32
      %dma_wait3A_98 = arith.constant 0 : i32
      %dma_wait3A_99 = tpu.memref_slice %arg9[%dma_wait3A_97, %dma_wait3A_98] : memref<10240x128xf32, #tpu.memory_space<vmem_shared>> -> memref<10240x128xf32, #tpu.memory_space<vmem_shared>>
      tpu.wait_indirect_dma semaphore(%arg12 : memref<!tpu.dma_semaphore, #tpu.memory_space<semaphore_mem>>) src(%arg5 : memref<128x128xf32, #tpu.memory_space<vmem>>) dst(%dma_wait3A_99 : memref<10240x128xf32, #tpu.memory_space<vmem_shared>>)
      %dma_wait3A_100 = arith.constant 0 : i32
      %dma_wait3A_101 = tpu.memref_slice %arg2[%mul3A_85, %dma_wait3A_100] : memref<320000x128xf32, #tpu.memory_space<hbm>> -> memref<128x128xf32, #tpu.memory_space<hbm>>
      %dma_wait3A_102 = arith.constant 0 : i32
      %dma_wait3A_103 = tpu.memref_slice %arg2[%mul3A_85, %dma_wait3A_102] : memref<320000x128xf32, #tpu.memory_space<hbm>> -> memref<128x128xf32, #tpu.memory_space<hbm>>
      tpu.wait_dma2 semaphore(%arg10 : memref<!tpu.dma_semaphore, #tpu.memory_space<semaphore_mem>>) src(%dma_wait3A_103 : memref<128x128xf32, #tpu.memory_space<hbm>>) dst(%arg6 : memref<128x128xf32, #tpu.memory_space<vmem>>)
      %dma_wait3A_104 = tpu.memref_slice %arg3[%add3A_91] : memref<320000xi32, #tpu.memory_space<hbm>> -> memref<128xi32, #tpu.memory_space<hbm>>
      %dma_wait3A_105 = tpu.memref_slice %arg3[%add3A_91] : memref<320000xi32, #tpu.memory_space<hbm>> -> memref<128xi32, #tpu.memory_space<hbm>>
      tpu.wait_dma2 semaphore(%arg11 : memref<!tpu.dma_semaphore, #tpu.memory_space<semaphore_mem>>) src(%dma_wait3A_105 : memref<128xi32, #tpu.memory_space<hbm>>) dst(%arg8 : memref<128xi32, #tpu.memory_space<vmem>>)
      %add3A_106 = arith.constant 1 : i32
      %add3A_107 = arith.addi %mul3A_78, %add3A_106 : i32
      %add3A_108 = arith.addi %mul3A_2, %add3A_107 : i32
      %add3A_109 = arith.constant 1 : i32
      %add3A_110 = arith.addi %add3A_108, %add3A_109 : i32
      %mul3A_111 = arith.constant 128 : i32
      %mul3A_112 = arith.muli %add3A_110, %mul3A_111 : i32
      %dma_start3A_113 = arith.constant 0 : i32
      %dma_start3A_114 = tpu.memref_slice %arg2[%mul3A_112, %dma_start3A_113] : memref<320000x128xf32, #tpu.memory_space<hbm>> -> memref<128x128xf32, #tpu.memory_space<hbm>>
      %dma_start3A_115 = arith.constant 0 : i32
      %dma_start3A_116 = tpu.memref_slice %arg2[%mul3A_112, %dma_start3A_115] : memref<320000x128xf32, #tpu.memory_space<hbm>> -> memref<128x128xf32, #tpu.memory_space<hbm>>
      tpu.enqueue_dma source(%dma_start3A_116 : memref<128x128xf32, #tpu.memory_space<hbm>>) target(%arg5 : memref<128x128xf32, #tpu.memory_space<vmem>>) target_semaphore(%arg10 : memref<!tpu.dma_semaphore, #tpu.memory_space<semaphore_mem>>)
      %add3A_117 = arith.constant 0 : i32
      %add3A_118 = arith.addi %add3A_117, %mul3A_112 : i32
      %dma_start3A_119 = tpu.memref_slice %arg3[%add3A_118] : memref<320000xi32, #tpu.memory_space<hbm>> -> memref<128xi32, #tpu.memory_space<hbm>>
      %dma_start3A_120 = tpu.memref_slice %arg3[%add3A_118] : memref<320000xi32, #tpu.memory_space<hbm>> -> memref<128xi32, #tpu.memory_space<hbm>>
      tpu.enqueue_dma source(%dma_start3A_120 : memref<128xi32, #tpu.memory_space<hbm>>) target(%arg7 : memref<128xi32, #tpu.memory_space<vmem>>) target_semaphore(%arg11 : memref<!tpu.dma_semaphore, #tpu.memory_space<semaphore_mem>>)
      %dma_start3A_121 = arith.constant 0 : i32
      %dma_start3A_122 = arith.constant 0 : i32
      %dma_start3A_123 = tpu.memref_slice %arg9[%dma_start3A_121, %dma_start3A_122] : memref<10240x128xf32, #tpu.memory_space<vmem_shared>> -> memref<10240x128xf32, #tpu.memory_space<vmem_shared>>
      tpu.enqueue_indirect_dma source(%arg6 : memref<128x128xf32, #tpu.memory_space<vmem>>) target(%dma_start3A_123 : memref<10240x128xf32, #tpu.memory_space<vmem_shared>>) offsets(%arg8 : memref<128xi32, #tpu.memory_space<vmem>>) semaphore(%arg12 : memref<!tpu.dma_semaphore, #tpu.memory_space<semaphore_mem>>) {add = true}
      %dma_wait3A_124 = arith.constant 0 : i32
      %dma_wait3A_125 = arith.constant 0 : i32
      %dma_wait3A_126 = tpu.memref_slice %arg9[%dma_wait3A_124, %dma_wait3A_125] : memref<10240x128xf32, #tpu.memory_space<vmem_shared>> -> memref<10240x128xf32, #tpu.memory_space<vmem_shared>>
      tpu.wait_indirect_dma semaphore(%arg12 : memref<!tpu.dma_semaphore, #tpu.memory_space<semaphore_mem>>) src(%arg6 : memref<128x128xf32, #tpu.memory_space<vmem>>) dst(%dma_wait3A_126 : memref<10240x128xf32, #tpu.memory_space<vmem_shared>>)
      %dma_wait3A_127 = arith.constant 0 : i32
      %dma_wait3A_128 = tpu.memref_slice %arg2[%mul3A_112, %dma_wait3A_127] : memref<320000x128xf32, #tpu.memory_space<hbm>> -> memref<128x128xf32, #tpu.memory_space<hbm>>
      %dma_wait3A_129 = arith.constant 0 : i32
      %dma_wait3A_130 = tpu.memref_slice %arg2[%mul3A_112, %dma_wait3A_129] : memref<320000x128xf32, #tpu.memory_space<hbm>> -> memref<128x128xf32, #tpu.memory_space<hbm>>
      tpu.wait_dma2 semaphore(%arg10 : memref<!tpu.dma_semaphore, #tpu.memory_space<semaphore_mem>>) src(%dma_wait3A_130 : memref<128x128xf32, #tpu.memory_space<hbm>>) dst(%arg5 : memref<128x128xf32, #tpu.memory_space<vmem>>)
      %dma_wait3A_131 = tpu.memref_slice %arg3[%add3A_118] : memref<320000xi32, #tpu.memory_space<hbm>> -> memref<128xi32, #tpu.memory_space<hbm>>
      %dma_wait3A_132 = tpu.memref_slice %arg3[%add3A_118] : memref<320000xi32, #tpu.memory_space<hbm>> -> memref<128xi32, #tpu.memory_space<hbm>>
      tpu.wait_dma2 semaphore(%arg11 : memref<!tpu.dma_semaphore, #tpu.memory_space<semaphore_mem>>) src(%dma_wait3A_132 : memref<128xi32, #tpu.memory_space<hbm>>) dst(%arg7 : memref<128xi32, #tpu.memory_space<vmem>>)
    }
    %scan3A_39 = arith.constant 38 : i32
    %add3A_40 = arith.constant 78 : i32
    %add3A_41 = arith.addi %mul3A_2, %add3A_40 : i32
    %sub3A = arith.constant 1 : i32
    %sub3A_42 = arith.subi %add3A_41, %sub3A : i32
    %mul3A_43 = arith.constant 128 : i32
    %mul3A_44 = arith.muli %sub3A_42, %mul3A_43 : i32
    %dma_start3A = arith.constant 0 : i32
    %dma_start3A_45 = tpu.memref_slice %arg2[%mul3A_44, %dma_start3A] : memref<320000x128xf32, #tpu.memory_space<hbm>> -> memref<128x128xf32, #tpu.memory_space<hbm>>
    %dma_start3A_46 = arith.constant 0 : i32
    %dma_start3A_47 = tpu.memref_slice %arg2[%mul3A_44, %dma_start3A_46] : memref<320000x128xf32, #tpu.memory_space<hbm>> -> memref<128x128xf32, #tpu.memory_space<hbm>>
    tpu.enqueue_dma source(%dma_start3A_47 : memref<128x128xf32, #tpu.memory_space<hbm>>) target(%arg6 : memref<128x128xf32, #tpu.memory_space<vmem>>) target_semaphore(%arg10 : memref<!tpu.dma_semaphore, #tpu.memory_space<semaphore_mem>>)
    %add3A_48 = arith.constant 0 : i32
    %add3A_49 = arith.addi %add3A_48, %mul3A_44 : i32
    %dma_start3A_50 = tpu.memref_slice %arg3[%add3A_49] : memref<320000xi32, #tpu.memory_space<hbm>> -> memref<128xi32, #tpu.memory_space<hbm>>
    %dma_start3A_51 = tpu.memref_slice %arg3[%add3A_49] : memref<320000xi32, #tpu.memory_space<hbm>> -> memref<128xi32, #tpu.memory_space<hbm>>
    tpu.enqueue_dma source(%dma_start3A_51 : memref<128xi32, #tpu.memory_space<hbm>>) target(%arg8 : memref<128xi32, #tpu.memory_space<vmem>>) target_semaphore(%arg11 : memref<!tpu.dma_semaphore, #tpu.memory_space<semaphore_mem>>)
    %dma_start3A_52 = arith.constant 0 : i32
    %dma_start3A_53 = arith.constant 0 : i32
    %dma_start3A_54 = tpu.memref_slice %arg9[%dma_start3A_52, %dma_start3A_53] : memref<10240x128xf32, #tpu.memory_space<vmem_shared>> -> memref<10240x128xf32, #tpu.memory_space<vmem_shared>>
    tpu.enqueue_indirect_dma source(%arg5 : memref<128x128xf32, #tpu.memory_space<vmem>>) target(%dma_start3A_54 : memref<10240x128xf32, #tpu.memory_space<vmem_shared>>) offsets(%arg7 : memref<128xi32, #tpu.memory_space<vmem>>) semaphore(%arg12 : memref<!tpu.dma_semaphore, #tpu.memory_space<semaphore_mem>>) {add = true}
    %dma_wait3A = arith.constant 0 : i32
    %dma_wait3A_55 = arith.constant 0 : i32
    %dma_wait3A_56 = tpu.memref_slice %arg9[%dma_wait3A, %dma_wait3A_55] : memref<10240x128xf32, #tpu.memory_space<vmem_shared>> -> memref<10240x128xf32, #tpu.memory_space<vmem_shared>>
    tpu.wait_indirect_dma semaphore(%arg12 : memref<!tpu.dma_semaphore, #tpu.memory_space<semaphore_mem>>) src(%arg5 : memref<128x128xf32, #tpu.memory_space<vmem>>) dst(%dma_wait3A_56 : memref<10240x128xf32, #tpu.memory_space<vmem_shared>>)
    %dma_wait3A_57 = arith.constant 0 : i32
    %dma_wait3A_58 = tpu.memref_slice %arg2[%mul3A_44, %dma_wait3A_57] : memref<320000x128xf32, #tpu.memory_space<hbm>> -> memref<128x128xf32, #tpu.memory_space<hbm>>
    %dma_wait3A_59 = arith.constant 0 : i32
    %dma_wait3A_60 = tpu.memref_slice %arg2[%mul3A_44, %dma_wait3A_59] : memref<320000x128xf32, #tpu.memory_space<hbm>> -> memref<128x128xf32, #tpu.memory_space<hbm>>
    tpu.wait_dma2 semaphore(%arg10 : memref<!tpu.dma_semaphore, #tpu.memory_space<semaphore_mem>>) src(%dma_wait3A_60 : memref<128x128xf32, #tpu.memory_space<hbm>>) dst(%arg6 : memref<128x128xf32, #tpu.memory_space<vmem>>)
    %dma_wait3A_61 = tpu.memref_slice %arg3[%add3A_49] : memref<320000xi32, #tpu.memory_space<hbm>> -> memref<128xi32, #tpu.memory_space<hbm>>
    %dma_wait3A_62 = tpu.memref_slice %arg3[%add3A_49] : memref<320000xi32, #tpu.memory_space<hbm>> -> memref<128xi32, #tpu.memory_space<hbm>>
    tpu.wait_dma2 semaphore(%arg11 : memref<!tpu.dma_semaphore, #tpu.memory_space<semaphore_mem>>) src(%dma_wait3A_62 : memref<128xi32, #tpu.memory_space<hbm>>) dst(%arg8 : memref<128xi32, #tpu.memory_space<vmem>>)
    %dma_start3A_63 = arith.constant 0 : i32
    %dma_start3A_64 = arith.constant 0 : i32
    %dma_start3A_65 = tpu.memref_slice %arg9[%dma_start3A_63, %dma_start3A_64] : memref<10240x128xf32, #tpu.memory_space<vmem_shared>> -> memref<10240x128xf32, #tpu.memory_space<vmem_shared>>
    tpu.enqueue_indirect_dma source(%arg6 : memref<128x128xf32, #tpu.memory_space<vmem>>) target(%dma_start3A_65 : memref<10240x128xf32, #tpu.memory_space<vmem_shared>>) offsets(%arg8 : memref<128xi32, #tpu.memory_space<vmem>>) semaphore(%arg12 : memref<!tpu.dma_semaphore, #tpu.memory_space<semaphore_mem>>) {add = true}
    %dma_wait3A_66 = arith.constant 0 : i32
    %dma_wait3A_67 = arith.constant 0 : i32
    %dma_wait3A_68 = tpu.memref_slice %arg9[%dma_wait3A_66, %dma_wait3A_67] : memref<10240x128xf32, #tpu.memory_space<vmem_shared>> -> memref<10240x128xf32, #tpu.memory_space<vmem_shared>>
    tpu.wait_indirect_dma semaphore(%arg12 : memref<!tpu.dma_semaphore, #tpu.memory_space<semaphore_mem>>) src(%arg6 : memref<128x128xf32, #tpu.memory_space<vmem>>) dst(%dma_wait3A_68 : memref<10240x128xf32, #tpu.memory_space<vmem_shared>>)
    %lt3A = arith.constant 4 : i32
    %lt3A_69 = arith.cmpi slt, %add3A, %lt3A : i32
    %convert_element_type3A = arith.extui %lt3A_69 : i1 to i32
    %cond3A = arith.constant 0 : i32
    %cond3A_70 = arith.cmpi ne, %convert_element_type3A, %cond3A : i32
    scf.if %cond3A_70 {
      %add3A_76 = arith.constant 2496 : i32
      %add3A_77 = arith.addi %add3A_76, %add3A : i32
      %mul3A_78 = arith.constant 128 : i32
      %mul3A_79 = arith.muli %add3A_77, %mul3A_78 : i32
      "tpu.region"() ({
        %run_scoped3A = tpu.sem_alloc : memref<!tpu.dma_semaphore, #tpu.memory_space<semaphore_mem>>
        %dma_start3A_88 = arith.constant 0 : i32
        %dma_start3A_89 = tpu.memref_slice %arg2[%mul3A_79, %dma_start3A_88] : memref<320000x128xf32, #tpu.memory_space<hbm>> -> memref<128x128xf32, #tpu.memory_space<hbm>>
        %dma_start3A_90 = arith.constant 0 : i32
        %dma_start3A_91 = tpu.memref_slice %arg2[%mul3A_79, %dma_start3A_90] : memref<320000x128xf32, #tpu.memory_space<hbm>> -> memref<128x128xf32, #tpu.memory_space<hbm>>
        tpu.enqueue_dma source(%dma_start3A_91 : memref<128x128xf32, #tpu.memory_space<hbm>>) target(%arg6 : memref<128x128xf32, #tpu.memory_space<vmem>>) target_semaphore(%run_scoped3A : memref<!tpu.dma_semaphore, #tpu.memory_space<semaphore_mem>>)
        %dma_wait3A_92 = arith.constant 0 : i32
        %dma_wait3A_93 = tpu.memref_slice %arg2[%mul3A_79, %dma_wait3A_92] : memref<320000x128xf32, #tpu.memory_space<hbm>> -> memref<128x128xf32, #tpu.memory_space<hbm>>
        %dma_wait3A_94 = arith.constant 0 : i32
        %dma_wait3A_95 = tpu.memref_slice %arg2[%mul3A_79, %dma_wait3A_94] : memref<320000x128xf32, #tpu.memory_space<hbm>> -> memref<128x128xf32, #tpu.memory_space<hbm>>
        tpu.wait_dma2 semaphore(%run_scoped3A : memref<!tpu.dma_semaphore, #tpu.memory_space<semaphore_mem>>) src(%dma_wait3A_95 : memref<128x128xf32, #tpu.memory_space<hbm>>) dst(%arg6 : memref<128x128xf32, #tpu.memory_space<vmem>>)
        tpu.yield
      }) : () -> ()
      %add3A_80 = arith.constant 0 : i32
      %add3A_81 = arith.addi %add3A_80, %mul3A_79 : i32
      "tpu.region"() ({
        %run_scoped3A = tpu.sem_alloc : memref<!tpu.dma_semaphore, #tpu.memory_space<semaphore_mem>>
        %dma_start3A_88 = tpu.memref_slice %arg3[%add3A_81] : memref<320000xi32, #tpu.memory_space<hbm>> -> memref<128xi32, #tpu.memory_space<hbm>>
        %dma_start3A_89 = tpu.memref_slice %arg3[%add3A_81] : memref<320000xi32, #tpu.memory_space<hbm>> -> memref<128xi32, #tpu.memory_space<hbm>>
        tpu.enqueue_dma source(%dma_start3A_89 : memref<128xi32, #tpu.memory_space<hbm>>) target(%arg8 : memref<128xi32, #tpu.memory_space<vmem>>) target_semaphore(%run_scoped3A : memref<!tpu.dma_semaphore, #tpu.memory_space<semaphore_mem>>)
        %dma_wait3A_90 = tpu.memref_slice %arg3[%add3A_81] : memref<320000xi32, #tpu.memory_space<hbm>> -> memref<128xi32, #tpu.memory_space<hbm>>
        %dma_wait3A_91 = tpu.memref_slice %arg3[%add3A_81] : memref<320000xi32, #tpu.memory_space<hbm>> -> memref<128xi32, #tpu.memory_space<hbm>>
        tpu.wait_dma2 semaphore(%run_scoped3A : memref<!tpu.dma_semaphore, #tpu.memory_space<semaphore_mem>>) src(%dma_wait3A_91 : memref<128xi32, #tpu.memory_space<hbm>>) dst(%arg8 : memref<128xi32, #tpu.memory_space<vmem>>)
        tpu.yield
      }) : () -> ()
      %dma_start3A_82 = arith.constant 0 : i32
      %dma_start3A_83 = arith.constant 0 : i32
      %dma_start3A_84 = tpu.memref_slice %arg9[%dma_start3A_82, %dma_start3A_83] : memref<10240x128xf32, #tpu.memory_space<vmem_shared>> -> memref<10240x128xf32, #tpu.memory_space<vmem_shared>>
      tpu.enqueue_indirect_dma source(%arg6 : memref<128x128xf32, #tpu.memory_space<vmem>>) target(%dma_start3A_84 : memref<10240x128xf32, #tpu.memory_space<vmem_shared>>) offsets(%arg8 : memref<128xi32, #tpu.memory_space<vmem>>) semaphore(%arg12 : memref<!tpu.dma_semaphore, #tpu.memory_space<semaphore_mem>>) {add = true}
      %dma_wait3A_85 = arith.constant 0 : i32
      %dma_wait3A_86 = arith.constant 0 : i32
      %dma_wait3A_87 = tpu.memref_slice %arg9[%dma_wait3A_85, %dma_wait3A_86] : memref<10240x128xf32, #tpu.memory_space<vmem_shared>> -> memref<10240x128xf32, #tpu.memory_space<vmem_shared>>
      tpu.wait_indirect_dma semaphore(%arg12 : memref<!tpu.dma_semaphore, #tpu.memory_space<semaphore_mem>>) src(%arg6 : memref<128x128xf32, #tpu.memory_space<vmem>>) dst(%dma_wait3A_87 : memref<10240x128xf32, #tpu.memory_space<vmem_shared>>)
    } else {
    }
    %barrier3A_71 = arith.constant 0 : index
    tpu.barrier barrier_id(%barrier3A_71)
    %mul3A_72 = arith.constant 640 : i32
    %mul3A_73 = arith.muli %arg1, %mul3A_72 : i32
    %mul3A_74 = arith.constant 640 : i32
    %mul3A_75 = arith.muli %arg1, %mul3A_74 : i32
    "tpu.region"() ({
      %run_scoped3A = tpu.sem_alloc : memref<!tpu.dma_semaphore, #tpu.memory_space<semaphore_mem>>
      %dma_start3A_76 = arith.constant 0 : i32
      %dma_start3A_77 = tpu.memref_slice %arg4[%arg0, %mul3A_75, %dma_start3A_76] : memref<2x10240x128xf32, #tpu.memory_space<hbm>> -> memref<1x640x128xf32, #tpu.memory_space<hbm>>
      %dma_start3A_78 = tpu.memref_squeeze %dma_start3A_77 : memref<1x640x128xf32, #tpu.memory_space<hbm>> -> memref<640x128xf32, #tpu.memory_space<hbm>>
      %dma_start3A_79 = arith.constant 0 : i32
      %dma_start3A_80 = tpu.memref_slice %arg9[%mul3A_73, %dma_start3A_79] : memref<10240x128xf32, #tpu.memory_space<vmem_shared>> -> memref<640x128xf32, #tpu.memory_space<vmem_shared>>
      tpu.enqueue_dma source(%dma_start3A_80 : memref<640x128xf32, #tpu.memory_space<vmem_shared>>) target(%dma_start3A_78 : memref<640x128xf32, #tpu.memory_space<hbm>>) target_semaphore(%run_scoped3A : memref<!tpu.dma_semaphore, #tpu.memory_space<semaphore_mem>>)
      %dma_wait3A_81 = arith.constant 0 : i32
      %dma_wait3A_82 = tpu.memref_slice %arg4[%arg0, %mul3A_75, %dma_wait3A_81] : memref<2x10240x128xf32, #tpu.memory_space<hbm>> -> memref<1x640x128xf32, #tpu.memory_space<hbm>>
      %dma_wait3A_83 = tpu.memref_squeeze %dma_wait3A_82 : memref<1x640x128xf32, #tpu.memory_space<hbm>> -> memref<640x128xf32, #tpu.memory_space<hbm>>
      %dma_wait3A_84 = arith.constant 0 : i32
      %dma_wait3A_85 = tpu.memref_slice %arg9[%mul3A_73, %dma_wait3A_84] : memref<10240x128xf32, #tpu.memory_space<vmem_shared>> -> memref<640x128xf32, #tpu.memory_space<vmem_shared>>
      tpu.wait_dma2 semaphore(%run_scoped3A : memref<!tpu.dma_semaphore, #tpu.memory_space<semaphore_mem>>) src(%dma_wait3A_85 : memref<640x128xf32, #tpu.memory_space<vmem_shared>>) dst(%dma_wait3A_83 : memref<640x128xf32, #tpu.memory_space<hbm>>)
      tpu.yield
    }) : () -> ()
    return
  }
}

module attributes {stable_mosaic.version = 14 : i64} {
  func.func @_tc_edge_mlp_body(%arg0: i32, %arg1: memref<8000x128xf32, #tpu.memory_space<vmem>>, %arg2: memref<8000x128xf32, #tpu.memory_space<vmem>>, %arg3: memref<128x128xf32, #tpu.memory_space<vmem>>, %arg4: memref<1x128xf32, #tpu.memory_space<vmem>>, %arg5: memref<8000x128xf32, #tpu.memory_space<vmem>>) attributes {dimension_semantics = [#tpu.dimension_semantics<arbitrary>], iteration_bounds = array<i64: 20>, scalar_prefetch = 0 : i64, scratch_operands = 0 : i64, tpu.core_type = #tpu.core_type<tc>, window_params = [{transform_indices = @transform_0, window_bounds = array<i64: 8000, 128>}, {transform_indices = @transform_1, window_bounds = array<i64: 8000, 128>}, {pipeline_mode = #tpu.pipeline_mode<synchronous>, transform_indices = @transform_2, window_bounds = array<i64: 128, 128>}, {pipeline_mode = #tpu.pipeline_mode<synchronous>, transform_indices = @transform_3, window_bounds = array<i64: 1, 128>}, {transform_indices = @transform_4, window_bounds = array<i64: 8000, 128>}]} {
    %get3A = arith.constant 0 : index
    %get3A_0 = arith.constant 0 : index
    %get3A_1 = vector.load %arg1[%get3A, %get3A_0] : memref<8000x128xf32, #tpu.memory_space<vmem>>, vector<8000x128xf32>
    %get3A_2 = arith.constant 0 : index
    %get3A_3 = arith.constant 0 : index
    %get3A_4 = vector.load %arg2[%get3A_2, %get3A_3] : memref<8000x128xf32, #tpu.memory_space<vmem>>, vector<8000x128xf32>
    %add3A = arith.addf %get3A_1, %get3A_4 : vector<8000x128xf32>
    %get3A_5 = arith.constant 0 : index
    %get3A_6 = arith.constant 0 : index
    %get3A_7 = vector.load %arg3[%get3A_5, %get3A_6] : memref<128x128xf32, #tpu.memory_space<vmem>>, vector<128x128xf32>
    %dot_general3A = arith.constant dense<0.000000e+00> : vector<8000x128xf32>
    %dot_general3A_8 = tpu.matmul %add3A, %get3A_7, %dot_general3A {dimension_numbers = #tpu.dot_dimension_numbers<[1], [0], [0], [1], [0, 0, 1, 1], [], []>, transpose_lhs_hint = false} : vector<8000x128xf32>, vector<128x128xf32>, vector<8000x128xf32> -> vector<8000x128xf32>
    %get3A_9 = arith.constant 0 : index
    %get3A_10 = arith.constant 0 : index
    %get3A_11 = vector.load %arg4[%get3A_9, %get3A_10] : memref<1x128xf32, #tpu.memory_space<vmem>>, vector<1x128xf32>
    %add3A_12 = vector.broadcast %get3A_11 : vector<1x128xf32> to vector<8000x128xf32>
    %add3A_13 = arith.addf %dot_general3A_8, %add3A_12 : vector<8000x128xf32>
    %mul3A = arith.mulf %add3A_13, %add3A_13 : vector<8000x128xf32>
    %add3A_14 = arith.constant 1.000000e+00 : f32
    %add3A_15 = vector.broadcast %add3A_14 : f32 to vector<8000x128xf32>
    %add3A_16 = arith.addf %mul3A, %add3A_15 : vector<8000x128xf32>
    %sqrt3A = math.sqrt %add3A_16 : vector<8000x128xf32>
    %sub3A = arith.constant 1.000000e+00 : f32
    %sub3A_17 = vector.broadcast %sub3A : f32 to vector<8000x128xf32>
    %sub3A_18 = arith.subf %sqrt3A, %sub3A_17 : vector<8000x128xf32>
    %mul3A_19 = arith.constant 2.500000e-01 : f32
    %mul3A_20 = vector.broadcast %mul3A_19 : f32 to vector<8000x128xf32>
    %mul3A_21 = arith.mulf %sub3A_18, %mul3A_20 : vector<8000x128xf32>
    %mul3A_22 = arith.constant 5.000000e-01 : f32
    %mul3A_23 = vector.broadcast %mul3A_22 : f32 to vector<8000x128xf32>
    %mul3A_24 = arith.mulf %add3A_13, %mul3A_23 : vector<8000x128xf32>
    %add3A_25 = arith.addf %mul3A_21, %mul3A_24 : vector<8000x128xf32>
    %swap3A = arith.constant 0 : index
    %swap3A_26 = arith.constant 0 : index
    %swap3A_27 = vector.load %arg5[%swap3A, %swap3A_26] : memref<8000x128xf32, #tpu.memory_space<vmem>>, vector<8000x128xf32>
    tpu.vector_store %arg5[%swap3A, %swap3A_26], %add3A_25 {strides = array<i32>} : memref<8000x128xf32, #tpu.memory_space<vmem>>, vector<8000x128xf32>,
    return
  }
  func.func @transform_0(%arg0: i32) -> (i32, i32) {
    %c0_i32 = arith.constant 0 : i32
    %c0_i32_0 = arith.constant 0 : i32
    return %arg0, %c0_i32 : i32, i32
  }
  func.func @transform_1(%arg0: i32) -> (i32, i32) {
    %add3A = arith.constant 0 : i32
    %add3A_0 = arith.addi %arg0, %add3A : i32
    %c0_i32 = arith.constant 0 : i32
    %c0_i32_1 = arith.constant 0 : i32
    return %add3A_0, %c0_i32 : i32, i32
  }
  func.func @transform_2(%arg0: i32) -> (i32, i32) {
    %c0_i32 = arith.constant 0 : i32
    %c0_i32_0 = arith.constant 0 : i32
    %c0_i32_1 = arith.constant 0 : i32
    return %c0_i32, %c0_i32_0 : i32, i32
  }
  func.func @transform_3(%arg0: i32) -> (i32, i32) {
    %c0_i32 = arith.constant 0 : i32
    %c0_i32_0 = arith.constant 0 : i32
    %c0_i32_1 = arith.constant 0 : i32
    return %c0_i32, %c0_i32_0 : i32, i32
  }
  func.func @transform_4(%arg0: i32) -> (i32, i32) {
    %add3A = arith.constant 0 : i32
    %add3A_0 = arith.addi %arg0, %add3A : i32
    %c0_i32 = arith.constant 0 : i32
    %c0_i32_1 = arith.constant 0 : i32
    return %add3A_0, %c0_i32 : i32, i32
  }
}

module attributes {stable_mosaic.version = 14 : i64} {
  func.func @_tc_edge_mlp_body_alias(%arg0: i32, %arg1: memref<8000x128xf32, #tpu.memory_space<vmem>>, %arg2: memref<8000x128xf32, #tpu.memory_space<vmem>>, %arg3: memref<128x128xf32, #tpu.memory_space<vmem>>, %arg4: memref<1x128xf32, #tpu.memory_space<vmem>>, %arg5: memref<320000x128xf32, #tpu.memory_space<any>>, %arg6: memref<8000x128xf32, #tpu.memory_space<vmem>>) attributes {dimension_semantics = [#tpu.dimension_semantics<arbitrary>], iteration_bounds = array<i64: 20>, scalar_prefetch = 0 : i64, scratch_operands = 0 : i64, tpu.core_type = #tpu.core_type<tc>, window_params = [{transform_indices = @transform_0, window_bounds = array<i64: 8000, 128>}, {transform_indices = @transform_1, window_bounds = array<i64: 8000, 128>}, {pipeline_mode = #tpu.pipeline_mode<synchronous>, transform_indices = @transform_2, window_bounds = array<i64: 128, 128>}, {pipeline_mode = #tpu.pipeline_mode<synchronous>, transform_indices = @transform_3, window_bounds = array<i64: 1, 128>}, {}, {transform_indices = @transform_5, window_bounds = array<i64: 8000, 128>}]} {
    %get3A = arith.constant 0 : index
    %get3A_0 = arith.constant 0 : index
    %get3A_1 = vector.load %arg1[%get3A, %get3A_0] : memref<8000x128xf32, #tpu.memory_space<vmem>>, vector<8000x128xf32>
    %get3A_2 = arith.constant 0 : index
    %get3A_3 = arith.constant 0 : index
    %get3A_4 = vector.load %arg2[%get3A_2, %get3A_3] : memref<8000x128xf32, #tpu.memory_space<vmem>>, vector<8000x128xf32>
    %add3A = arith.addf %get3A_1, %get3A_4 : vector<8000x128xf32>
    %get3A_5 = arith.constant 0 : index
    %get3A_6 = arith.constant 0 : index
    %get3A_7 = vector.load %arg3[%get3A_5, %get3A_6] : memref<128x128xf32, #tpu.memory_space<vmem>>, vector<128x128xf32>
    %dot_general3A = arith.constant dense<0.000000e+00> : vector<8000x128xf32>
    %dot_general3A_8 = tpu.matmul %add3A, %get3A_7, %dot_general3A {dimension_numbers = #tpu.dot_dimension_numbers<[1], [0], [0], [1], [0, 0, 1, 1], [], []>, transpose_lhs_hint = false} : vector<8000x128xf32>, vector<128x128xf32>, vector<8000x128xf32> -> vector<8000x128xf32>
    %get3A_9 = arith.constant 0 : index
    %get3A_10 = arith.constant 0 : index
    %get3A_11 = vector.load %arg4[%get3A_9, %get3A_10] : memref<1x128xf32, #tpu.memory_space<vmem>>, vector<1x128xf32>
    %add3A_12 = vector.broadcast %get3A_11 : vector<1x128xf32> to vector<8000x128xf32>
    %add3A_13 = arith.addf %dot_general3A_8, %add3A_12 : vector<8000x128xf32>
    %mul3A = arith.mulf %add3A_13, %add3A_13 : vector<8000x128xf32>
    %add3A_14 = arith.constant 1.000000e+00 : f32
    %add3A_15 = vector.broadcast %add3A_14 : f32 to vector<8000x128xf32>
    %add3A_16 = arith.addf %mul3A, %add3A_15 : vector<8000x128xf32>
    %sqrt3A = math.sqrt %add3A_16 : vector<8000x128xf32>
    %sub3A = arith.constant 1.000000e+00 : f32
    %sub3A_17 = vector.broadcast %sub3A : f32 to vector<8000x128xf32>
    %sub3A_18 = arith.subf %sqrt3A, %sub3A_17 : vector<8000x128xf32>
    %mul3A_19 = arith.constant 2.500000e-01 : f32
    %mul3A_20 = vector.broadcast %mul3A_19 : f32 to vector<8000x128xf32>
    %mul3A_21 = arith.mulf %sub3A_18, %mul3A_20 : vector<8000x128xf32>
    %mul3A_22 = arith.constant 5.000000e-01 : f32
    %mul3A_23 = vector.broadcast %mul3A_22 : f32 to vector<8000x128xf32>
    %mul3A_24 = arith.mulf %add3A_13, %mul3A_23 : vector<8000x128xf32>
    %add3A_25 = arith.addf %mul3A_21, %mul3A_24 : vector<8000x128xf32>
    %swap3A = arith.constant 0 : index
    %swap3A_26 = arith.constant 0 : index
    %swap3A_27 = vector.load %arg6[%swap3A, %swap3A_26] : memref<8000x128xf32, #tpu.memory_space<vmem>>, vector<8000x128xf32>
    tpu.vector_store %arg6[%swap3A, %swap3A_26], %add3A_25 {strides = array<i32>} : memref<8000x128xf32, #tpu.memory_space<vmem>>, vector<8000x128xf32>,
    return
  }
  func.func @transform_0(%arg0: i32) -> (i32, i32) {
    %c0_i32 = arith.constant 0 : i32
    %c0_i32_0 = arith.constant 0 : i32
    return %arg0, %c0_i32 : i32, i32
  }
  func.func @transform_1(%arg0: i32) -> (i32, i32) {
    %add3A = arith.constant 20 : i32
    %add3A_0 = arith.addi %arg0, %add3A : i32
    %c0_i32 = arith.constant 0 : i32
    %c0_i32_1 = arith.constant 0 : i32
    return %add3A_0, %c0_i32 : i32, i32
  }
  func.func @transform_2(%arg0: i32) -> (i32, i32) {
    %c0_i32 = arith.constant 0 : i32
    %c0_i32_0 = arith.constant 0 : i32
    %c0_i32_1 = arith.constant 0 : i32
    return %c0_i32, %c0_i32_0 : i32, i32
  }
  func.func @transform_3(%arg0: i32) -> (i32, i32) {
    %c0_i32 = arith.constant 0 : i32
    %c0_i32_0 = arith.constant 0 : i32
    %c0_i32_1 = arith.constant 0 : i32
    return %c0_i32, %c0_i32_0 : i32, i32
  }
  func.func @transform_5(%arg0: i32) -> (i32, i32) {
    %add3A = arith.constant 20 : i32
    %add3A_0 = arith.addi %arg0, %add3A : i32
    %c0_i32 = arith.constant 0 : i32
    %c0_i32_1 = arith.constant 0 : i32
    return %add3A_0, %c0_i32 : i32, i32
  }
}

module attributes {stable_mosaic.version = 14 : i64} {
  func.func @_tc_node_mlp_body(%arg0: i32, %arg1: memref<2000x128xf32, #tpu.memory_space<vmem>>, %arg2: memref<1x2000x128xf32, #tpu.memory_space<vmem>>, %arg3: memref<1x2000x128xf32, #tpu.memory_space<vmem>>, %arg4: memref<128x128xf32, #tpu.memory_space<vmem>>, %arg5: memref<1x128xf32, #tpu.memory_space<vmem>>, %arg6: memref<128x128xf32, #tpu.memory_space<vmem>>, %arg7: memref<1x128xf32, #tpu.memory_space<vmem>>, %arg8: memref<2000x128xf32, #tpu.memory_space<vmem>>) attributes {dimension_semantics = [#tpu.dimension_semantics<arbitrary>], iteration_bounds = array<i64: 5>, scalar_prefetch = 0 : i64, scratch_operands = 0 : i64, tpu.core_type = #tpu.core_type<tc>, window_params = [{transform_indices = @transform_0, window_bounds = array<i64: 2000, 128>}, {transform_indices = @transform_1, window_bounds = array<i64: 1, 2000, 128>}, {transform_indices = @transform_2, window_bounds = array<i64: 1, 2000, 128>}, {pipeline_mode = #tpu.pipeline_mode<synchronous>, transform_indices = @transform_3, window_bounds = array<i64: 128, 128>}, {pipeline_mode = #tpu.pipeline_mode<synchronous>, transform_indices = @transform_4, window_bounds = array<i64: 1, 128>}, {pipeline_mode = #tpu.pipeline_mode<synchronous>, transform_indices = @transform_5, window_bounds = array<i64: 128, 128>}, {pipeline_mode = #tpu.pipeline_mode<synchronous>, transform_indices = @transform_6, window_bounds = array<i64: 1, 128>}, {transform_indices = @transform_7, window_bounds = array<i64: 2000, 128>}]} {
    %get3A = arith.constant 0 : index
    %get3A_0 = arith.constant 0 : index
    %get3A_1 = arith.constant 0 : index
    %get3A_2 = vector.load %arg2[%get3A, %get3A_0, %get3A_1] : memref<1x2000x128xf32, #tpu.memory_space<vmem>>, vector<1x2000x128xf32>
    %get3A_3 = vector.shape_cast %get3A_2 : vector<1x2000x128xf32> to vector<2000x128xf32>
    %get3A_4 = arith.constant 0 : index
    %get3A_5 = arith.constant 0 : index
    %get3A_6 = arith.constant 0 : index
    %get3A_7 = vector.load %arg3[%get3A_4, %get3A_5, %get3A_6] : memref<1x2000x128xf32, #tpu.memory_space<vmem>>, vector<1x2000x128xf32>
    %get3A_8 = vector.shape_cast %get3A_7 : vector<1x2000x128xf32> to vector<2000x128xf32>
    %add3A = arith.addf %get3A_3, %get3A_8 : vector<2000x128xf32>
    %get3A_9 = arith.constant 0 : index
    %get3A_10 = arith.constant 0 : index
    %get3A_11 = vector.load %arg1[%get3A_9, %get3A_10] : memref<2000x128xf32, #tpu.memory_space<vmem>>, vector<2000x128xf32>
    %mul3A = arith.constant 1.000000e-01 : f32
    %mul3A_12 = vector.broadcast %mul3A : f32 to vector<2000x128xf32>
    %mul3A_13 = arith.mulf %add3A, %mul3A_12 : vector<2000x128xf32>
    %add3A_14 = arith.addf %get3A_11, %mul3A_13 : vector<2000x128xf32>
    %mul3A_15 = arith.constant 5.000000e-01 : f32
    %mul3A_16 = vector.broadcast %mul3A_15 : f32 to vector<2000x128xf32>
    %mul3A_17 = arith.mulf %add3A_14, %mul3A_16 : vector<2000x128xf32>
    %get3A_18 = arith.constant 0 : index
    %get3A_19 = arith.constant 0 : index
    %get3A_20 = vector.load %arg4[%get3A_18, %get3A_19] : memref<128x128xf32, #tpu.memory_space<vmem>>, vector<128x128xf32>
    %dot_general3A = arith.constant dense<0.000000e+00> : vector<2000x128xf32>
    %dot_general3A_21 = tpu.matmul %mul3A_17, %get3A_20, %dot_general3A {dimension_numbers = #tpu.dot_dimension_numbers<[1], [0], [0], [1], [0, 0, 1, 1], [], []>, transpose_lhs_hint = false} : vector<2000x128xf32>, vector<128x128xf32>, vector<2000x128xf32> -> vector<2000x128xf32>
    %get3A_22 = arith.constant 0 : index
    %get3A_23 = arith.constant 0 : index
    %get3A_24 = vector.load %arg5[%get3A_22, %get3A_23] : memref<1x128xf32, #tpu.memory_space<vmem>>, vector<1x128xf32>
    %add3A_25 = vector.broadcast %get3A_24 : vector<1x128xf32> to vector<2000x128xf32>
    %add3A_26 = arith.addf %dot_general3A_21, %add3A_25 : vector<2000x128xf32>
    %mul3A_27 = arith.mulf %add3A_26, %add3A_26 : vector<2000x128xf32>
    %add3A_28 = arith.constant 1.000000e+00 : f32
    %add3A_29 = vector.broadcast %add3A_28 : f32 to vector<2000x128xf32>
    %add3A_30 = arith.addf %mul3A_27, %add3A_29 : vector<2000x128xf32>
    %sqrt3A = math.sqrt %add3A_30 : vector<2000x128xf32>
    %sub3A = arith.constant 1.000000e+00 : f32
    %sub3A_31 = vector.broadcast %sub3A : f32 to vector<2000x128xf32>
    %sub3A_32 = arith.subf %sqrt3A, %sub3A_31 : vector<2000x128xf32>
    %mul3A_33 = arith.constant 5.000000e-01 : f32
    %mul3A_34 = vector.broadcast %mul3A_33 : f32 to vector<2000x128xf32>
    %mul3A_35 = arith.mulf %sub3A_32, %mul3A_34 : vector<2000x128xf32>
    %add3A_36 = arith.addf %mul3A_35, %add3A_26 : vector<2000x128xf32>
    %get3A_37 = arith.constant 0 : index
    %get3A_38 = arith.constant 0 : index
    %get3A_39 = vector.load %arg6[%get3A_37, %get3A_38] : memref<128x128xf32, #tpu.memory_space<vmem>>, vector<128x128xf32>
    %dot_general3A_40 = arith.constant dense<0.000000e+00> : vector<2000x128xf32>
    %dot_general3A_41 = tpu.matmul %add3A_36, %get3A_39, %dot_general3A_40 {dimension_numbers = #tpu.dot_dimension_numbers<[1], [0], [0], [1], [0, 0, 1, 1], [], []>, transpose_lhs_hint = false} : vector<2000x128xf32>, vector<128x128xf32>, vector<2000x128xf32> -> vector<2000x128xf32>
    %get3A_42 = arith.constant 0 : index
    %get3A_43 = arith.constant 0 : index
    %get3A_44 = vector.load %arg7[%get3A_42, %get3A_43] : memref<1x128xf32, #tpu.memory_space<vmem>>, vector<1x128xf32>
    %add3A_45 = vector.broadcast %get3A_44 : vector<1x128xf32> to vector<2000x128xf32>
    %add3A_46 = arith.addf %dot_general3A_41, %add3A_45 : vector<2000x128xf32>
    %mul3A_47 = arith.mulf %add3A_46, %add3A_46 : vector<2000x128xf32>
    %add3A_48 = arith.constant 1.000000e+00 : f32
    %add3A_49 = vector.broadcast %add3A_48 : f32 to vector<2000x128xf32>
    %add3A_50 = arith.addf %mul3A_47, %add3A_49 : vector<2000x128xf32>
    %sqrt3A_51 = math.sqrt %add3A_50 : vector<2000x128xf32>
    %sub3A_52 = arith.constant 1.000000e+00 : f32
    %sub3A_53 = vector.broadcast %sub3A_52 : f32 to vector<2000x128xf32>
    %sub3A_54 = arith.subf %sqrt3A_51, %sub3A_53 : vector<2000x128xf32>
    %mul3A_55 = arith.constant 5.000000e-01 : f32
    %mul3A_56 = vector.broadcast %mul3A_55 : f32 to vector<2000x128xf32>
    %mul3A_57 = arith.mulf %sub3A_54, %mul3A_56 : vector<2000x128xf32>
    %add3A_58 = arith.addf %mul3A_57, %add3A_46 : vector<2000x128xf32>
    %swap3A = arith.constant 0 : index
    %swap3A_59 = arith.constant 0 : index
    %swap3A_60 = vector.load %arg8[%swap3A, %swap3A_59] : memref<2000x128xf32, #tpu.memory_space<vmem>>, vector<2000x128xf32>
    tpu.vector_store %arg8[%swap3A, %swap3A_59], %add3A_58 {strides = array<i32>} : memref<2000x128xf32, #tpu.memory_space<vmem>>, vector<2000x128xf32>,
    return
  }
  func.func @transform_0(%arg0: i32) -> (i32, i32) {
    %c0_i32 = arith.constant 0 : i32
    %c0_i32_0 = arith.constant 0 : i32
    return %arg0, %c0_i32 : i32, i32
  }
  func.func @transform_1(%arg0: i32) -> (i32, i32, i32) {
    %c0_i32 = arith.constant 0 : i32
    %c0_i32_0 = arith.constant 0 : i32
    %c0_i32_1 = arith.constant 0 : i32
    return %c0_i32, %arg0, %c0_i32_0 : i32, i32, i32
  }
  func.func @transform_2(%arg0: i32) -> (i32, i32, i32) {
    %c1_i32 = arith.constant 1 : i32
    %c0_i32 = arith.constant 0 : i32
    %c0_i32_0 = arith.constant 0 : i32
    return %c1_i32, %arg0, %c0_i32 : i32, i32, i32
  }
  func.func @transform_3(%arg0: i32) -> (i32, i32) {
    %c0_i32 = arith.constant 0 : i32
    %c0_i32_0 = arith.constant 0 : i32
    %c0_i32_1 = arith.constant 0 : i32
    return %c0_i32, %c0_i32_0 : i32, i32
  }
  func.func @transform_4(%arg0: i32) -> (i32, i32) {
    %c0_i32 = arith.constant 0 : i32
    %c0_i32_0 = arith.constant 0 : i32
    %c0_i32_1 = arith.constant 0 : i32
    return %c0_i32, %c0_i32_0 : i32, i32
  }
  func.func @transform_5(%arg0: i32) -> (i32, i32) {
    %c0_i32 = arith.constant 0 : i32
    %c0_i32_0 = arith.constant 0 : i32
    %c0_i32_1 = arith.constant 0 : i32
    return %c0_i32, %c0_i32_0 : i32, i32
  }
  func.func @transform_6(%arg0: i32) -> (i32, i32) {
    %c0_i32 = arith.constant 0 : i32
    %c0_i32_0 = arith.constant 0 : i32
    %c0_i32_1 = arith.constant 0 : i32
    return %c0_i32, %c0_i32_0 : i32, i32
  }
  func.func @transform_7(%arg0: i32) -> (i32, i32) {
    %c0_i32 = arith.constant 0 : i32
    %c0_i32_0 = arith.constant 0 : i32
    return %arg0, %c0_i32 : i32, i32
  }
}

</mosaic_0001>

<sc_bundles>
// kernel: kernel.11.cloned.1.call-start
scs
__scs_entry_jumppad:
0x0: {  	(pc) =	sbr.rel $0x88, $3  }
0x1: {  	(tag) =	ssettag $0x0;
	lr =	simm.s32 $0x1  }
0x2: {  	[smem:$0x3F98] =	sst lr;
	_ =	strace $0xD0000000  }
0x3: {  	_ = 	snop  }
0x4: {  	_ = 	snop  }
0x5: {  	_ = 	snop  }
0x6: {  	_ = 	snop  }
0x7: {  	_ = 	snop  }
__scs_overlays_trampoline_lowered:
0x8: {  	[smem:$0x3FA7] =	sst s0  }
0x9: {  	[smem:$0x3FA8] =	sst s1  }
0xa: {  	[smem:$0x3FA9] =	sst s2  }
0xb: {  	[smem:$0x3FAA] =	sst s3  }
0xc: {  	[smem:$0x3FAB] =	sst s4  }
0xd: {  	[smem:$0x3FAC] =	sst s5  }
0xe: {  	[smem:$0x3FAD] =	sst s6  }
0xf: {  	[smem:$0x3FAE] =	sst s7  }
0x10: {  	[smem:$0x3FAF] =	sst s8  }
0x11: {  	[smem:$0x3FB0] =	sst s9;
	s0 =	simm.s32 @!p0 $0x0  }
0x12: {  	s1 =	sld [smem:$0x3F96];
	s0 =	simm.s32 @p0 $0x1  }
0x13: {  	[smem:$0x3FB1] =	sst s0;
	s0 =	simm.s32 @!p1 $0x0  }
0x14: {  	s2 =	sld [smem:$0x3F95];
	s0 =	simm.s32 @p1 $0x1  }
0x15: {  	[smem:$0x3FB2] =	sst s0;
	s0 =	simm.s32 @!p2 $0x0  }
0x16: {  	s3 =	sld [smem:$0x3FDB];
	s0 =	simm.s32 @p2 $0x1  }
0x17: {  	s4 =	simm.s32 $0x1BF5;
	[smem:$0x3FB4] =	sst s0  }
0x18: {  	s0 =	sld [smem:$0x3F97];
	_ =	swait.ge [sflag:s4], $0x0  }
0x19: {  	s7 =	sld [smem:$0x3F98]  }
0x1a: {  	s8 =	sadd.s32 $0xFFFFE003, lr  }
0x1b: {  	s9 =	sadd.s32 $0xFFFFFEF7, lr;
	s5 =	simm.s32 $0xFFFFFFFF;
	p2 =	slt.u32 s8, $0xFFFFF086  }
0x1c: {  	p1 =	slt.u32 s9, $0xF7A;
	s5 =	simm.s32 @!p2 $0x0  }
0x1d: {  	s5 =	simm.s32 @p1 $0x1;
	p0 =	seq.s32 s7, s2  }
0x1e: {  	s7 =	smul.u32 @!p0 $0xF7A, s2;
	p2 =	seq.s32 @!p0 s5, $0x0  }
0x1f: {  	s9 =	smul.u32 $0xF7A, s1;
	s8 =	simm.s32 @!p0 $0x1BF5;
	p2 =	por !p2, p0  }
0x20: {  	[sflag:s8] =	ssyncset.s32 @!p0 $0xFFFFF086;
	s6 =	sadd.s32 @!p0 s3, s7;
	s7 =	simm.s32 @!p0 $0x108  }
0x21: {  	s3 =	sadd.s32 s3, s9;
	s6 =	sadd.s32 @!p0 $0x88, s6;
	s7 =	simm.s32 @p2 $0x1082  }
0x22: {  	[simem:s7], [sflag:s8] =	dma.local @!p0 [hbm:s6], $0xF7A  }
0x23: {  	s9 =	sor.u32 $0xD0000000, s2;
	s6 =	simm.s32 $0x108;
	_ =	swait.ge @!p0 [sflag:s8], $0x0  }
0x24: {  	s3 =	sadd.s32 $0x88, s3;
	s6 =	simm.s32 @!p1 $0x1082;
	[sflag:s4] =	ssyncset.s32 $0xFFFFF086  }
0x25: {  	[simem:s6], [sflag:s4] =	dma.local [hbm:s3], $0xF7A  }
0x26: {  	[smem:$0x3F98] =	sst s1;
	(tag) =	ssettag s2;
	_ =	strace s9  }
0x27: {  	s1 =	sld [smem:$0x3FA8]  }
0x28: {  	s2 =	sld [smem:$0x3FA9]  }
0x29: {  	s4 =	sld [smem:$0x3FAB]  }
0x2a: {  	p0 =	seq.s32 s5, $0x0;
	s5 =	sld [smem:$0x3FAC]  }
0x2b: {  	s6 =	sld [smem:$0x3FAD]  }
0x2c: {  	s7 =	sld [smem:$0x3FAE]  }
0x2d: {  	s3 =	simm.s32 $0x108;
	s8 =	sld [smem:$0x3FAF]  }
0x2e: {  	s3 =	simm.s32 @!p0 $0x1082;
	s9 =	sld [smem:$0x3FB0]  }
0x2f: {  	lr =	sadd.s32 s0, s3;
	s0 =	sld [smem:$0x3FA7]  }
0x30: {  	s3 =	sld [smem:$0x3FAA]  }
0x31: {  	[smem:$0x3FB3] =	sst s10  }
0x32: {  	s10 =	sld [smem:$0x3FB1];
	_ =	sdelay $0x3  }
0x33: {  	p0 =	seq.s32 s10, $0x1;
	s10 =	sld [smem:$0x3FB3];
	_ =	sdelay $0x3  }
0x34: {  	[smem:$0x3FB3] =	sst s10  }
0x35: {  	s10 =	sld [smem:$0x3FB2];
	_ =	sdelay $0x3  }
0x36: {  	p1 =	seq.s32 s10, $0x1;
	s10 =	sld [smem:$0x3FB3];
	_ =	sdelay $0x3  }
0x37: {  	[smem:$0x3FB3] =	sst s10  }
0x38: {  	s10 =	sld [smem:$0x3FB4]  }
0x39: {  	_ = 	snop;
	(pc) =	sbr.ind lr, $3  }
0x3a: {  	_ = 	snop  }
0x3b: {  	_ = 	snop  }
0x3c: {  	p2 =	seq.s32 s10, $0x1;
	s10 =	sld [smem:$0x3FB3]  }
0x3d: {  	_ =	shalt  }
0x3e: {  	_ =	shalt  }
0x3f: {  	_ =	shalt  }
0x40: {  	_ =	shalt  }
0x41: {  	_ =	shalt  }
0x42: {  	_ =	shalt  }
0x43: {  	_ =	shalt  }
0x44: {  	_ =	shalt  }
0x45: {  	_ =	shalt  }
0x46: {  	_ =	shalt  }
0x47: {  	_ =	shalt  }
0x48: {  	_ =	shalt  }
0x49: {  	_ =	shalt  }
0x4a: {  	_ =	shalt  }
0x4b: {  	_ =	shalt  }
0x4c: {  	_ =	shalt  }
0x4d: {  	_ =	shalt  }
0x4e: {  	_ =	shalt  }
0x4f: {  	_ =	shalt  }
0x50: {  	_ =	shalt  }
0x51: {  	_ =	shalt  }
0x52: {  	_ =	shalt  }
0x53: {  	_ =	shalt  }
0x54: {  	_ =	shalt  }
0x55: {  	_ =	shalt  }
0x56: {  	_ =	shalt  }
0x57: {  	_ =	shalt  }
0x58: {  	_ =	shalt  }
0x59: {  	_ =	shalt  }
0x5a: {  	_ =	shalt  }
0x5b: {  	_ =	shalt  }
0x5c: {  	_ =	shalt  }
0x5d: {  	_ =	shalt  }
0x5e: {  	_ =	shalt  }
0x5f: {  	_ =	shalt  }
0x60: {  	_ =	shalt  }
0x61: {  	_ =	shalt  }
0x62: {  	_ =	shalt  }
0x63: {  	_ =	shalt  }
0x64: {  	_ =	shalt  }
0x65: {  	_ =	shalt  }
0x66: {  	_ =	shalt  }
0x67: {  	_ =	shalt  }
0x68: {  	_ =	shalt  }
0x69: {  	_ =	shalt  }
0x6a: {  	_ =	shalt  }
0x6b: {  	_ =	shalt  }
0x6c: {  	_ =	shalt  }
0x6d: {  	_ =	shalt  }
0x6e: {  	_ =	shalt  }
0x6f: {  	_ =	shalt  }
0x70: {  	_ =	shalt  }
0x71: {  	_ =	shalt  }
0x72: {  	_ =	shalt  }
0x73: {  	_ =	shalt  }
0x74: {  	_ =	shalt  }
0x75: {  	_ =	shalt  }
0x76: {  	_ =	shalt  }
0x77: {  	_ =	shalt  }
0x78: {  	_ =	shalt  }
0x79: {  	_ =	shalt  }
0x7a: {  	_ =	shalt  }
0x7b: {  	_ =	shalt  }
0x7c: {  	_ =	shalt  }
0x7d: {  	_ =	shalt  }
0x7e: {  	_ =	shalt  }
0x7f: {  	_ =	shalt  }
0x80: {  	_ =	shalt  }
0x81: {  	_ =	shalt  }
0x82: {  	_ =	shalt  }
0x83: {  	_ =	shalt  }
0x84: {  	_ =	shalt  }
0x85: {  	_ =	shalt  }
0x86: {  	_ =	shalt  }
0x87: {  	_ =	shalt  }
.Lfunc_end0:
.L_simem_size_0:
called_computation.1_lowered:
.L_overlay_start_0:
0x88: {  	s2 =	sld [smem:$0x3FD9]  }
0x89: {  	s3 =	sld [smem:$0x3FFE];
	_ =	sdelay $0x1  }
0x8a: {  	s1 =	srdreg.scid  }
0x8b: {  	s0 =	sand.u32 $0x1, s1  }
0x8c: {  	s17 =	sshll.u32 s0, $0xA;
	s2 =	sadd.s32 s3, s2  }
0x8d: {  	s2 =	sadd.s32 s2, s17  }
0x8e: {  	[smem:$0x3FBF] =	sst s2  }
0x8f: {  	_ = 	snop  }
0x90: {  	s18 =	sld [smem:$0x3FC9];
	(tm) =	ssettm $0x1  }
0x91: {  	s19 =	sld [smem:$0x3FFB];
	_ =	sdelay $0x3  }
0x92: {  	_ =	strace s19  }
0x93: {  	s2 =	sld [smem:$0x3FFC];
	_ =	sdelay $0x3  }
0x94: {  	_ =	strace s2  }
0x95: {  	s2 =	sld [smem:$0x3FFD];
	_ =	sdelay $0x3  }
0x96: {  	_ =	strace s2  }
0x97: {  	_ =	strace $0x8FFFFFFF  }
0x98: {  	s20 =	sld [smem:$0x3FDB];
	_ =	sdelay $0x1  }
0x99: {  	s4 =	simm.s32 $_scs_section_size  }
0x9a: {  	s5 =	simm.s32 $_size__tile_overlayer_lowered;
	s6 =	simm.s32 $_tile_overlayer_lowered  }
0x9b: {  	s7 =	simm.s32 $0x1BFF;
	s21 =	sshll.u32 s6, $0x1;
	s4 =	sadd.s32 s4, s20  }
0x9c: {  	s22 =	simm.s32 $0x0;
	s5 =	sshll.u32 s5, $0x1;
	s6 =	sadd.s32 s21, s4  }
0x9d: {  	[timem:s22], [sflag:s7] =	dma.local [hbm:s6], s5  }
0x9e: {  	_ =	swait.ge [sflag:s7], s5  }
0x9f: {  	s5 =	ssub.s32 $0x0, s5;
	[sflag:s7] =	ssyncset.done $0x0  }
0xa0: {  	[sflag:s7] =	ssyncadd.s32 s5;
	_ =	sdelay $0x1  }
0xa1: {  	s23 =	simm.s32 $0x1B8B  }
0xa2: {  	_ =	swait.ge [sflag:s23], $0x1  }
0xa3: {  	[sflag:s23] =	ssyncset.done $0x0  }
0xa4: {  	[sflag:s23] =	ssyncadd.s32 $0xFFFFFFFF  }
0xa5: {  	s5 =	sld [smem:$0x0]  }
0xa6: {  	s6 =	sand.u32 $0xFFFFFFFE, s1  }
0xa7: {  	p0 =	sne.s32 s1, s6  }
0xa8: {  	s6 =	sshll.u32 @p0 s6, $0xE  }
0xa9: {  	s6 =	sadd.s32 @p0 $0x11B8D, s6;
	s7 =	sshll.u32 @p0 s5, $0x11  }
0xaa: {  	s6 =	sor.u32 @p0 s7, s6  }
0xab: {  	[sflag:s6] =	ssyncadd.remote.s32 @p0 $0x1;
	_ =	sdelay $0x1  }
0xac: {  	s6 =	simm.s32 @p0 $0x1B8D  }
0xad: {  	_ =	swait.eq @p0 [sflag:s6], $0x1  }
0xae: {  	[sflag:s6] =	ssyncadd.s32 @p0 $0xFFFFFFFF  }
0xaf: {  	s7 =	sshll.u32 @!p0 s1, $0xE  }
0xb0: {  	s7 =	sor.u32 @!p0 $0x4000, s7;
	s6 =	simm.s32 @!p0 $0x1B8D  }
0xb1: {  	s5 =	sshll.u32 @!p0 s5, $0x11;
	s7 =	sadd.s32 @!p0 $0x11B8D, s7;
	_ =	swait.eq @!p0 [sflag:s6], $0x1  }
0xb2: {  	s5 =	sor.u32 @!p0 s5, s7;
	[sflag:s6] =	ssyncadd.s32 @!p0 $0xFFFFFFFF  }
0xb3: {  	s25 =	simm.s32 $0x1B8E;
	s24 =	sld [smem:$0x3FFE];
	[sflag:s5] =	ssyncadd.remote.s32 @!p0 $0x1  }
0xb4: {  	s26 =	simm.s32 $execute0_lowered;
	[smem:$0x3FD2] =	sst s25  }
0xb5: {  	s6 =	sshll.u32 s26, $0x1;
	_ =	strace $0x80000049;
	[dreg:$0x1] =	wrdreg $0xFFFFFFFF  }
0xb6: {  	s28 =	simm.s32 $_size_execute0_lowered;
	s4 =	sadd.s32 s4, s6;
	[dreg:$0x0] =	wrdreg $0x0  }
0xb7: {  	s6 =	sshll.u32 s28, $0x1;
	[dreg:$0x2] =	wrdreg s4  }
0xb8: {  	[dreg:$0x3] =	wrdreg s6  }
0xb9: {  	[dreg:$0x4] =	wrdreg $0xC0  }
0xba: {  	_ =	task [dreg:s22], $0x5FFFF  }
0xbb: {  	[dreg:$0x1] =	wrdreg $0xFFFFFFFF  }
0xbc: {  	[dreg:$0x0] =	wrdreg $0x60  }
0xbd: {  	[dreg:$0x2] =	wrdreg s18  }
0xbe: {  	[dreg:$0x3] =	wrdreg s24  }
0xbf: {  	[dreg:$0x4] =	wrdreg $0xA  }
0xc0: {  	_ =	task.clear_ibuf [dreg:s22], $0x5FFFF;
	_ =	strace $0x90000049  }
0xc1: {  	s29 =	simm.s32 $0xA;
	_ =	strace $0x8000004B  }
0xc2: {  	_ =	swait.ge [sflag:s29], $0x1  }
0xc3: {  	[sflag:s29] =	ssyncadd.s32 $0xFFFFFFFF  }
0xc4: {  	_ =	strace $0x9000004B  }
0xc5: {  	_ =	sfence  }
0xc6: {  	s30 =	sld [smem:$0x0];
	_ =	sdelay $0x2  }
0xc7: {  	s31 =	sshll.u32 s1, $0xD;
	s1 =	sshrl.u32 s1, $0x2  }
0xc8: {  	s4 =	sand.u32 $0x4000, s31;
	s1 =	sadd.s32 s1, s30  }
0xc9: {  	s0 =	sor.u32 s4, s0;
	s1 =	sshll.u32 s1, $0x11  }
0xca: {  	s0 =	sor.u32 s1, s0  }
0xcb: {  	s0 =	sadd.s32 $0x8F2B, s0  }
0xcc: {  	[sflag:s0] =	ssyncadd.remote.s32 $0x1  }
0xcd: {  	_ =	sfence.sel $0xFFFF  }
0xce: {  	[dreg:$0x0] =	wrdreg $0xFFFFFFFF;
	(pc) =	sbr.abs _section_cstart, $3  }
0xcf: {  	[dreg:$0x1] =	wrdreg $0xFFFFFFFF  }
0xd0: {  	_ =	task.clear_ibuf [dreg:s22], $0x2FFFF;
	_ =	strace $0x9FFFFFFF  }
0xd1: {  	(tm) =	ssettm $0x7FFFFFFF  }
tec
execute0_lowered:
.L_overlay_start_1:
0x0: {  	(tag) =	ssettag $0x1  }
0x1: {  	s0 =	rddreg [dreg:$0x0];
	s1 =	srdreg.scid  }
0x2: {  	s16 =	stileid.u32;
	s3 =	rddreg [dreg:$0x1]  }
0x3: {  	s2 =	simm.s32 $0x0;
	s13 =	simm.s32 $0x1;
	s14 =	simm.s32 $0x5400  }
0x4: {  	s15 =	simm.s32 $0x2;
	s6 =	sand.u32 $0x1, s1;
	s1 =	rddreg [dreg:$0x2]  }
0x5: {  	s4 =	sshll.u32 s16, $0x1;
	[smem:$0x7FF] =	sst s2;
	s10 =	smul.u32 $0x138000, s16  }
0x6: {  	s7 =	sadd.s32 $0x1400, s3;
	s9 =	sadd.s32 $0x27C200, s3;
	s12 =	smul.u32 $0x27000, s16  }
0x7: {  	p0 =	sne.s32 s16, $0x0;
	s16 =	simm.s32 $0x0;
	s28 =	smul.u32 $0x9C000, s6  }
0x8: {  	s4 =	sor.u32 s6, s4;
	_ =	strace $0x8000004A;
	s29 =	smul.u32 $0x13800, s6  }
0x9: {  	s8 =	ssub.s32 $0x2, s6;
	s26 =	sshll.u32 s6, $0x4;
	s5 =	smul.u32 $0x1380, s4  }
0xa: {  	s11 =	sshll.u32 s6, $0xB;
	s4 =	smul.u32 $0x9C000, s4;
	s25 =	sshrl.u32 s8, $0x1  }
0xb: {  	s11 =	sadd.s32 s11, s9;
	s12 =	sadd.s32 s12, s9;
	s8 =	ssub.s32 s8, s25  }
0xc: {  	s6 =	sadd.s32 $0x270000, s11;
	s31 =	sadd.s32 s29, s12;
	s5 =	sshrl.u32 s5, $0x3  }
0xd: {  	s11 =	simm.s32 $0x80;
	s4 =	sshrl.u32 s4, $0x3;
	s5 =	sadd.s32 s7, s5  }
0xe: {  	s12 =	simm.s32 $0x1400;
	s4 =	sadd.s32 s9, s4;
	s3 =	sadd.s32 $0x4E20, s5  }
0xf: {  	s4 =	sadd.s32 $0x13000, s4;
	s5 =	sadd.s32 s26, s7;
	s7 =	sadd.s32 s28, s10  }
0x10: {  	s10 =	simm.s32 $0x3;
	s5 =	sadd.s32 $0x9C20, s5;
	s30 =	sshrl.u32 s7, $0x3  }
0x11: {  	s7 =	smax.u32 s8, $0x1;
	s8 =	sadd.s32 s30, s9;
	s9 =	sadd.s32 $0x800, s31  }
.LBB2_1:
0x12: {  	[tilespmem:s2], [sflag:$0x3] =	stream.linear.gather [hbm4b:s3+s2], $0x1380, $0x38;
	[tilespmem:$0x9400] =	vst v63  }
0x13: {  	_ =	swait.ge [sflag:s10], $0x1380  }
0x14: {  	[sflag:s10] =	ssyncset.done $0x0  }
0x15: {  	[sflag:s10] =	ssyncadd.s32 $0xFFFFEC80  }
0x16: {  	[tilespmem:s12], [sflag:$0x1] =	stream.indirect.gather [hbm4b:s0+s11], $0x80, s2, s11, $0xb8;
	[tilespmem:$0x9400] =	vst v63  }
0x17: {  	_ =	swait.ge [sflag:s13], $0x4000  }
0x18: {  	[sflag:s13] =	ssyncset.done $0x0  }
0x19: {  	s17 =	sadd.s32 $0x0, s8;
	[sflag:s13] =	ssyncadd.s32 $0xFFFFC000  }
0x1a: {  	[hbm4b:s17+s2] =	stream.linear.scatter [tilespmem:s12], [sflag:$0x2], $0x4000, $0x38;
	[tilespmem:$0x9400] =	vst v63  }
0x1b: {  	s29 =	simm.s32 $0x80  }
0x1c: {  	[tilespmem:s14], [sflag:$0x1] =	stream.indirect.gather [hbm4b:s0+s11], $0x80, s29, s11, $0xb8;
	[tilespmem:$0x9400] =	vst v63  }
0x1d: {  	_ =	swait.ge [sflag:s13], $0x4000  }
0x1e: {  	[sflag:s13] =	ssyncset.done $0x0  }
0x1f: {  	[sflag:s13] =	ssyncadd.s32 $0xFFFFC000  }
0x20: {  	_ =	swait.ge [sflag:s15], $0x4000  }
0x21: {  	[sflag:s15] =	ssyncset.done $0x0  }
0x22: {  	s30 =	sadd.s32 $0x0, s9;
	[sflag:s15] =	ssyncadd.s32 $0xFFFFC000  }
0x23: {  	[hbm4b:s30+s2] =	stream.linear.scatter [tilespmem:s14], [sflag:$0x2], $0x4000, $0x38;
	[tilespmem:$0x9400] =	vst v63  }
0x24: {  	s31 =	simm.s32 $0x100  }
0x25: {  	[tilespmem:s12], [sflag:$0x1] =	stream.indirect.gather [hbm4b:s0+s11], $0x80, s31, s11, $0xb8;
	[tilespmem:$0x9400] =	vst v63  }
0x26: {  	_ =	swait.ge [sflag:s13], $0x4000  }
0x27: {  	[sflag:s13] =	ssyncset.done $0x0  }
0x28: {  	[sflag:s13] =	ssyncadd.s32 $0xFFFFC000  }
0x29: {  	s19 =	simm.s32 $0x2000;
	_ =	swait.ge [sflag:s15], $0x4000  }
0x2a: {  	s18 =	simm.s32 $0x200;
	s17 =	simm.s32 $0x1000;
	[sflag:s15] =	ssyncset.done $0x0  }
.LBB2_2:
0x2b: {  	s20 =	sadd.s32 s17, s8  }
0x2c: {  	[sflag:s15] =	ssyncadd.s32 $0xFFFFC000;
	s21 =	smov.u32 s19;
	s22 =	sadd.s32 $0x1000, s19  }
0x2d: {  	[hbm4b:s20+s2] =	stream.linear.scatter [tilespmem:s12], [sflag:$0x2], $0x4000, $0x38;
	[tilespmem:$0x9400] =	vst v63  }
0x2e: {  	p1 =	sne.s32 s19, $0x12000;
	s19 =	sadd.s32 $0xFFFFFF80, s18  }
0x2f: {  	[tilespmem:s14], [sflag:$0x1] =	stream.indirect.gather [hbm4b:s0+s11], $0x80, s19, s11, $0xb8;
	[tilespmem:$0x9400] =	vst v63  }
0x30: {  	_ =	swait.ge [sflag:s13], $0x4000  }
0x31: {  	[sflag:s13] =	ssyncset.done $0x0  }
0x32: {  	[sflag:s13] =	ssyncadd.s32 $0xFFFFC000  }
0x33: {  	_ =	swait.ge [sflag:s15], $0x4000  }
0x34: {  	[sflag:s15] =	ssyncset.done $0x0  }
0x35: {  	s19 =	sadd.s32 s17, s9;
	s17 =	smov.u32 s21;
	[sflag:s15] =	ssyncadd.s32 $0xFFFFC000  }
0x36: {  	[hbm4b:s19+s2] =	stream.linear.scatter [tilespmem:s14], [sflag:$0x2], $0x4000, $0x38;
	[tilespmem:$0x9400] =	vst v63  }
0x37: {  	_ = 	snop  }
0x38: {  	[tilespmem:s12], [sflag:$0x1] =	stream.indirect.gather [hbm4b:s0+s11], $0x80, s18, s11, $0xb8;
	[tilespmem:$0x9400] =	vst v63  }
.Ltmp0:
0x39: {  	_ =	swait.ge [sflag:s13], $0x4000;
	(pc) =	sbr.rel @p1 .LBB2_2-.Ltmp0, $4  }
0x3a: {  	[sflag:s13] =	ssyncset.done $0x0  }
0x3b: {  	[sflag:s13] =	ssyncadd.s32 $0xFFFFC000  }
0x3c: {  	_ =	swait.ge [sflag:s15], $0x4000  }
0x3d: {  	s19 =	smov.u32 s22;
	s18 =	sadd.s32 $0x100, s18;
	[sflag:s15] =	ssyncset.done $0x0  }
0x3e: {  	s19 =	sadd.s32 s17, s8;
	[sflag:s15] =	ssyncadd.s32 $0xFFFFC000  }
0x3f: {  	[hbm4b:s19+s2] =	stream.linear.scatter [tilespmem:s12], [sflag:$0x2], $0x4000, $0x38;
	[tilespmem:$0x9400] =	vst v63  }
0x40: {  	s30 =	sadd.s32 $0xFFFFFF80, s18  }
0x41: {  	[tilespmem:s14], [sflag:$0x1] =	stream.indirect.gather [hbm4b:s0+s11], $0x80, s30, s11, $0xb8;
	[tilespmem:$0x9400] =	vst v63  }
0x42: {  	_ =	swait.ge [sflag:s13], $0x4000  }
0x43: {  	[sflag:s13] =	ssyncset.done $0x0  }
0x44: {  	[sflag:s13] =	ssyncadd.s32 $0xFFFFC000  }
0x45: {  	_ =	swait.ge [sflag:s15], $0x4000  }
0x46: {  	[sflag:s15] =	ssyncset.done $0x0  }
0x47: {  	s31 =	sadd.s32 s17, s9;
	[sflag:s15] =	ssyncadd.s32 $0xFFFFC000  }
0x48: {  	[hbm4b:s31+s2] =	stream.linear.scatter [tilespmem:s14], [sflag:$0x2], $0x4000, $0x38;
	[tilespmem:$0x9400] =	vst v63  }
0x49: {  	_ = 	snop  }
0x4a: {  	[tilespmem:s12], [sflag:$0x1] =	stream.indirect.gather [hbm4b:s0+s11], $0x80, s18, s11, $0xb8;
	[tilespmem:$0x9400] =	vst v63  }
0x4b: {  	_ =	swait.ge [sflag:s13], $0x4000  }
0x4c: {  	[sflag:s13] =	ssyncset.done $0x0  }
0x4d: {  	[sflag:s13] =	ssyncadd.s32 $0xFFFFC000  }
0x4e: {  	_ =	swait.ge [sflag:s15], $0x4000  }
0x4f: {  	[sflag:s15] =	ssyncset.done $0x0  }
0x50: {  	[sflag:s15] =	ssyncadd.s32 $0xFFFFC000  }
0x51: {  	[hbm4b:s4+s2] =	stream.linear.scatter [tilespmem:s12], [sflag:$0x3], $0x4000, $0x38;
	[tilespmem:$0x9400] =	vst v63  }
0x52: {  	_ =	swait.ge [sflag:s10], $0x4000  }
0x53: {  	s17 =	simm.s32 @!p0 $0x0;
	[sflag:s10] =	ssyncset.done $0x0  }
0x54: {  	s19 =	simm.s32 @!p0 $0x3;
	s18 =	simm.s32 @!p0 $0x1380;
	[sflag:s10] =	ssyncadd.s32 $0xFFFFC000  }
0x55: {  	[tilespmem:s18], [sflag:$0x3] =	stream.linear.gather @!p0 [hbm4b:s5+s17], $0x80, $0x38;
	[tilespmem:$0x9400] =	vst v63  }
0x56: {  	_ =	swait.ge @!p0 [sflag:s19], $0x80  }
0x57: {  	[sflag:s19] =	ssyncset.done @!p0 $0x0  }
0x58: {  	s20 =	simm.s32 @!p0 $0x80;
	s21 =	simm.s32 @!p0 $0x1400;
	[sflag:s19] =	ssyncadd.s32 @!p0 $0xFFFFFF80  }
0x59: {  	[tilespmem:s21], [sflag:$0x1] =	stream.indirect.gather @!p0 [hbm4b:s0+s20], $0x80, s18, s20, $0xb8;
	[tilespmem:$0x9400] =	vst v63  }
0x5a: {  	s18 =	simm.s32 @!p0 $0x1  }
0x5b: {  	s16 =	sadd.s32 $0x1, s16;
	_ =	swait.ge @!p0 [sflag:s18], $0x4000  }
0x5c: {  	p1 =	sne.s32 s16, s7;
	[sflag:s18] =	ssyncset.done @!p0 $0x0  }
.Ltmp1:
0x5d: {  	[sflag:s18] =	ssyncadd.s32 @!p0 $0xFFFFC000;
	(pc) =	sbr.rel @p1 .LBB2_1-.Ltmp1, $4  }
0x5e: {  	[hbm4b:s6+s17] =	stream.linear.scatter @!p0 [tilespmem:s21], [sflag:$0x3], $0x4000, $0x38;
	[tilespmem:$0x9400] =	vst v63  }
0x5f: {  	_ =	swait.ge @!p0 [sflag:s19], $0x4000  }
0x60: {  	[sflag:s19] =	ssyncset.done @!p0 $0x0  }
0x61: {  	[sflag:s19] =	ssyncadd.s32 @!p0 $0xFFFFC000  }
0x62: {  	_ =	sfence.sel $0x180000  }
0x63: {  	[bflag:$0x0] =	sbarrier.arrive $0xFFFF  }
0x64: {  	_ =	strace $0x9000004A  }
0x65: {  	s0 =	sadd.s32 @!p0 $0x100000, s1;
	[bflag:$0x2] =	sbarrier.arrive $0xFFFF  }
0x66: {  	[sflag:s0] =	ssyncadd.tile.s32 @!p0 $0x1;
	_ =	shalt  }
.Lfunc_end2:
_tile_overlayer_lowered:
.L_overlay_start_2:
0x67: {  	(tag) =	ssettag $0x2  }
0x68: {  	s0 =	rddreg [dreg:$0x0];
	s2 =	stileid.u32  }
0x69: {  	s1 =	rddreg [dreg:$0x1];
	p0 =	sne.s32 s2, $0x0  }
0x6a: {  	s3 =	rddreg [dreg:$0x2];
	[bflag:$0x3] =	sbarrier.arrive $0xFFFF;
	s2 =	simm.s32 @!p0 $0x1C03  }
0x6b: {  	[timem:s3], [sflag:s2] =	dma.local @!p0 [hbm:s0], s1  }
0x6c: {  	s0 =	simm.s32 @!p0 $0x3  }
0x6d: {  	_ =	swait.ge @!p0 [sflag:s0], s1  }
0x6e: {  	s1 =	ssub.s32 @!p0 $0x0, s1;
	[sflag:s0] =	ssyncset.done @!p0 $0x0  }
0x6f: {  	[sflag:s0] =	ssyncadd.s32 @!p0 s1  }
0x70: {  	[bflag:$0x3] =	sbarrier.arrive $0xFFFF  }
0x71: {  	_ =	shalt  }

// kernel: kernel.14.cloned.1.call-start
scs
__scs_entry_jumppad:
0x0: {  	(pc) =	sbr.rel $0x88, $3  }
0x1: {  	(tag) =	ssettag $0x0;
	lr =	simm.s32 $0x1  }
0x2: {  	[smem:$0x3F98] =	sst lr;
	_ =	strace $0xD0000000  }
0x3: {  	_ = 	snop  }
0x4: {  	_ = 	snop  }
0x5: {  	_ = 	snop  }
0x6: {  	_ = 	snop  }
0x7: {  	_ = 	snop  }
__scs_overlays_trampoline_lowered:
0x8: {  	[smem:$0x3FA7] =	sst s0  }
0x9: {  	[smem:$0x3FA8] =	sst s1  }
0xa: {  	[smem:$0x3FA9] =	sst s2  }
0xb: {  	[smem:$0x3FAA] =	sst s3  }
0xc: {  	[smem:$0x3FAB] =	sst s4  }
0xd: {  	[smem:$0x3FAC] =	sst s5  }
0xe: {  	[smem:$0x3FAD] =	sst s6  }
0xf: {  	[smem:$0x3FAE] =	sst s7  }
0x10: {  	[smem:$0x3FAF] =	sst s8  }
0x11: {  	[smem:$0x3FB0] =	sst s9;
	s0 =	simm.s32 @!p0 $0x0  }
0x12: {  	s1 =	sld [smem:$0x3F96];
	s0 =	simm.s32 @p0 $0x1  }
0x13: {  	[smem:$0x3FB1] =	sst s0;
	s0 =	simm.s32 @!p1 $0x0  }
0x14: {  	s2 =	sld [smem:$0x3F95];
	s0 =	simm.s32 @p1 $0x1  }
0x15: {  	[smem:$0x3FB2] =	sst s0;
	s0 =	simm.s32 @!p2 $0x0  }
0x16: {  	s3 =	sld [smem:$0x3FDB];
	s0 =	simm.s32 @p2 $0x1  }
0x17: {  	s4 =	simm.s32 $0x1BF5;
	[smem:$0x3FB4] =	sst s0  }
0x18: {  	s0 =	sld [smem:$0x3F97];
	_ =	swait.ge [sflag:s4], $0x0  }
0x19: {  	s7 =	sld [smem:$0x3F98]  }
0x1a: {  	s8 =	sadd.s32 $0xFFFFE003, lr  }
0x1b: {  	s9 =	sadd.s32 $0xFFFFFEF7, lr;
	s5 =	simm.s32 $0xFFFFFFFF;
	p2 =	slt.u32 s8, $0xFFFFF086  }
0x1c: {  	p1 =	slt.u32 s9, $0xF7A;
	s5 =	simm.s32 @!p2 $0x0  }
0x1d: {  	s5 =	simm.s32 @p1 $0x1;
	p0 =	seq.s32 s7, s2  }
0x1e: {  	s7 =	smul.u32 @!p0 $0xF7A, s2;
	p2 =	seq.s32 @!p0 s5, $0x0  }
0x1f: {  	s9 =	smul.u32 $0xF7A, s1;
	s8 =	simm.s32 @!p0 $0x1BF5;
	p2 =	por !p2, p0  }
0x20: {  	[sflag:s8] =	ssyncset.s32 @!p0 $0xFFFFF086;
	s6 =	sadd.s32 @!p0 s3, s7;
	s7 =	simm.s32 @!p0 $0x108  }
0x21: {  	s3 =	sadd.s32 s3, s9;
	s6 =	sadd.s32 @!p0 $0x88, s6;
	s7 =	simm.s32 @p2 $0x1082  }
0x22: {  	[simem:s7], [sflag:s8] =	dma.local @!p0 [hbm:s6], $0xF7A  }
0x23: {  	s9 =	sor.u32 $0xD0000000, s2;
	s6 =	simm.s32 $0x108;
	_ =	swait.ge @!p0 [sflag:s8], $0x0  }
0x24: {  	s3 =	sadd.s32 $0x88, s3;
	s6 =	simm.s32 @!p1 $0x1082;
	[sflag:s4] =	ssyncset.s32 $0xFFFFF086  }
0x25: {  	[simem:s6], [sflag:s4] =	dma.local [hbm:s3], $0xF7A  }
0x26: {  	[smem:$0x3F98] =	sst s1;
	(tag) =	ssettag s2;
	_ =	strace s9  }
0x27: {  	s1 =	sld [smem:$0x3FA8]  }
0x28: {  	s2 =	sld [smem:$0x3FA9]  }
0x29: {  	s4 =	sld [smem:$0x3FAB]  }
0x2a: {  	p0 =	seq.s32 s5, $0x0;
	s5 =	sld [smem:$0x3FAC]  }
0x2b: {  	s6 =	sld [smem:$0x3FAD]  }
0x2c: {  	s7 =	sld [smem:$0x3FAE]  }
0x2d: {  	s3 =	simm.s32 $0x108;
	s8 =	sld [smem:$0x3FAF]  }
0x2e: {  	s3 =	simm.s32 @!p0 $0x1082;
	s9 =	sld [smem:$0x3FB0]  }
0x2f: {  	lr =	sadd.s32 s0, s3;
	s0 =	sld [smem:$0x3FA7]  }
0x30: {  	s3 =	sld [smem:$0x3FAA]  }
0x31: {  	[smem:$0x3FB3] =	sst s10  }
0x32: {  	s10 =	sld [smem:$0x3FB1];
	_ =	sdelay $0x3  }
0x33: {  	p0 =	seq.s32 s10, $0x1;
	s10 =	sld [smem:$0x3FB3];
	_ =	sdelay $0x3  }
0x34: {  	[smem:$0x3FB3] =	sst s10  }
0x35: {  	s10 =	sld [smem:$0x3FB2];
	_ =	sdelay $0x3  }
0x36: {  	p1 =	seq.s32 s10, $0x1;
	s10 =	sld [smem:$0x3FB3];
	_ =	sdelay $0x3  }
0x37: {  	[smem:$0x3FB3] =	sst s10  }
0x38: {  	s10 =	sld [smem:$0x3FB4]  }
0x39: {  	_ = 	snop;
	(pc) =	sbr.ind lr, $3  }
0x3a: {  	_ = 	snop  }
0x3b: {  	_ = 	snop  }
0x3c: {  	p2 =	seq.s32 s10, $0x1;
	s10 =	sld [smem:$0x3FB3]  }
0x3d: {  	_ =	shalt  }
0x3e: {  	_ =	shalt  }
0x3f: {  	_ =	shalt  }
0x40: {  	_ =	shalt  }
0x41: {  	_ =	shalt  }
0x42: {  	_ =	shalt  }
0x43: {  	_ =	shalt  }
0x44: {  	_ =	shalt  }
0x45: {  	_ =	shalt  }
0x46: {  	_ =	shalt  }
0x47: {  	_ =	shalt  }
0x48: {  	_ =	shalt  }
0x49: {  	_ =	shalt  }
0x4a: {  	_ =	shalt  }
0x4b: {  	_ =	shalt  }
0x4c: {  	_ =	shalt  }
0x4d: {  	_ =	shalt  }
0x4e: {  	_ =	shalt  }
0x4f: {  	_ =	shalt  }
0x50: {  	_ =	shalt  }
0x51: {  	_ =	shalt  }
0x52: {  	_ =	shalt  }
0x53: {  	_ =	shalt  }
0x54: {  	_ =	shalt  }
0x55: {  	_ =	shalt  }
0x56: {  	_ =	shalt  }
0x57: {  	_ =	shalt  }
0x58: {  	_ =	shalt  }
0x59: {  	_ =	shalt  }
0x5a: {  	_ =	shalt  }
0x5b: {  	_ =	shalt  }
0x5c: {  	_ =	shalt  }
0x5d: {  	_ =	shalt  }
0x5e: {  	_ =	shalt  }
0x5f: {  	_ =	shalt  }
0x60: {  	_ =	shalt  }
0x61: {  	_ =	shalt  }
0x62: {  	_ =	shalt  }
0x63: {  	_ =	shalt  }
0x64: {  	_ =	shalt  }
0x65: {  	_ =	shalt  }
0x66: {  	_ =	shalt  }
0x67: {  	_ =	shalt  }
0x68: {  	_ =	shalt  }
0x69: {  	_ =	shalt  }
0x6a: {  	_ =	shalt  }
0x6b: {  	_ =	shalt  }
0x6c: {  	_ =	shalt  }
0x6d: {  	_ =	shalt  }
0x6e: {  	_ =	shalt  }
0x6f: {  	_ =	shalt  }
0x70: {  	_ =	shalt  }
0x71: {  	_ =	shalt  }
0x72: {  	_ =	shalt  }
0x73: {  	_ =	shalt  }
0x74: {  	_ =	shalt  }
0x75: {  	_ =	shalt  }
0x76: {  	_ =	shalt  }
0x77: {  	_ =	shalt  }
0x78: {  	_ =	shalt  }
0x79: {  	_ =	shalt  }
0x7a: {  	_ =	shalt  }
0x7b: {  	_ =	shalt  }
0x7c: {  	_ =	shalt  }
0x7d: {  	_ =	shalt  }
0x7e: {  	_ =	shalt  }
0x7f: {  	_ =	shalt  }
0x80: {  	_ =	shalt  }
0x81: {  	_ =	shalt  }
0x82: {  	_ =	shalt  }
0x83: {  	_ =	shalt  }
0x84: {  	_ =	shalt  }
0x85: {  	_ =	shalt  }
0x86: {  	_ =	shalt  }
0x87: {  	_ =	shalt  }
.Lfunc_end0:
.L_simem_size_0:
called_computation.2_lowered:
.L_overlay_start_0:
0x88: {  	s2 =	sld [smem:$0x3FD9]  }
0x89: {  	s3 =	sld [smem:$0x3FFE];
	_ =	sdelay $0x1  }
0x8a: {  	s1 =	srdreg.scid  }
0x8b: {  	s0 =	sand.u32 $0x1, s1  }
0x8c: {  	s14 =	sshll.u32 s0, $0xA;
	s2 =	sadd.s32 s3, s2  }
0x8d: {  	s2 =	sadd.s32 s2, s14  }
0x8e: {  	[smem:$0x3FBF] =	sst s2  }
0x8f: {  	_ = 	snop  }
0x90: {  	s2 =	sld [smem:$0x3FD0];
	_ =	sdelay $0x2  }
0x91: {  	s15 =	simm.s32 $0xB;
	s4 =	simm.s32 $0x10  }
0x92: {  	[smem:s4], [sflag:s15] =	dma.local [hbm:s2], $0x1  }
0x93: {  	_ =	swait.eq [sflag:s15], $0x1  }
0x94: {  	[sflag:s15] =	ssyncset.done $0x0  }
0x95: {  	s16 =	sld [smem:$0x10];
	[sflag:s15] =	ssyncadd.s32 $0xFFFFFFFF  }
0x96: {  	s17 =	sld [smem:$0x11];
	(tm) =	ssettm $0x1  }
0x97: {  	s18 =	sld [smem:$0x3FFB];
	_ =	sdelay $0x3  }
0x98: {  	_ =	strace s18  }
0x99: {  	s4 =	sld [smem:$0x3FFC];
	_ =	sdelay $0x3  }
0x9a: {  	_ =	strace s4  }
0x9b: {  	s4 =	sld [smem:$0x3FFD];
	_ =	sdelay $0x3  }
0x9c: {  	_ =	strace s4  }
0x9d: {  	_ =	strace $0x8FFFFFFF  }
0x9e: {  	s19 =	sld [smem:$0x3FDB];
	_ =	sdelay $0x1  }
0x9f: {  	s5 =	simm.s32 $_scs_section_size  }
0xa0: {  	s6 =	simm.s32 $_size__tile_overlayer_lowered;
	s7 =	simm.s32 $_tile_overlayer_lowered  }
0xa1: {  	s22 =	simm.s32 $0x1BFF;
	s21 =	sshll.u32 s7, $0x1;
	s4 =	sadd.s32 s5, s19  }
0xa2: {  	s8 =	simm.s32 $0x0;
	s20 =	sshll.u32 s6, $0x1;
	s6 =	sadd.s32 s21, s4  }
0xa3: {  	[timem:s8], [sflag:s22] =	dma.local [hbm:s6], s20  }
0xa4: {  	_ =	swait.ge [sflag:s22], s20  }
0xa5: {  	s5 =	ssub.s32 $0x0, s20;
	[sflag:s22] =	ssyncset.done $0x0  }
0xa6: {  	[sflag:s22] =	ssyncadd.s32 s5;
	_ =	sdelay $0x1  }
0xa7: {  	s23 =	simm.s32 $0x1B8B  }
0xa8: {  	_ =	swait.ge [sflag:s23], $0x1  }
0xa9: {  	[sflag:s23] =	ssyncset.done $0x0  }
0xaa: {  	s25 =	simm.s32 $0x1B8E;
	s24 =	sld [smem:$0x3FFE];
	[sflag:s23] =	ssyncadd.s32 $0xFFFFFFFF  }
0xab: {  	s26 =	simm.s32 $execute0_lowered;
	[smem:$0x3FD2] =	sst s25  }
0xac: {  	s6 =	sshll.u32 s26, $0x1;
	_ =	strace $0x8000004C;
	[dreg:$0x1] =	wrdreg $0xFFFFFFFF  }
0xad: {  	s28 =	simm.s32 $_size_execute0_lowered;
	s4 =	sadd.s32 s4, s6;
	[dreg:$0x0] =	wrdreg $0x0  }
0xae: {  	s6 =	sshll.u32 s28, $0x1;
	[dreg:$0x2] =	wrdreg s4  }
0xaf: {  	[dreg:$0x3] =	wrdreg s6  }
0xb0: {  	[dreg:$0x4] =	wrdreg $0xC0  }
0xb1: {  	_ =	task [dreg:s8], $0x5FFFF  }
0xb2: {  	[dreg:$0x1] =	wrdreg $0xFFFFFFFF  }
0xb3: {  	[dreg:$0x0] =	wrdreg $0x60  }
0xb4: {  	[dreg:$0x2] =	wrdreg s17  }
0xb5: {  	[dreg:$0x3] =	wrdreg s16  }
0xb6: {  	[dreg:$0x4] =	wrdreg s24  }
0xb7: {  	[dreg:$0x5] =	wrdreg $0x81000  }
0xb8: {  	[dreg:$0x6] =	wrdreg $0x9  }
0xb9: {  	_ =	task.clear_ibuf [dreg:s8], $0x7FFFF;
	_ =	strace $0x9000004C  }
0xba: {  	s29 =	simm.s32 $0x9;
	_ =	strace $0x8000004E  }
0xbb: {  	_ =	swait.ge [sflag:s29], $0x1  }
0xbc: {  	[sflag:s29] =	ssyncadd.s32 $0xFFFFFFFF  }
0xbd: {  	_ =	strace $0x9000004E  }
0xbe: {  	_ =	sfence  }
0xbf: {  	s30 =	sld [smem:$0x0];
	_ =	sdelay $0x2  }
0xc0: {  	s31 =	sshll.u32 s1, $0xD;
	s1 =	sshrl.u32 s1, $0x2  }
0xc1: {  	s3 =	sand.u32 $0x4000, s31;
	s1 =	sadd.s32 s1, s30  }
0xc2: {  	s0 =	sor.u32 s3, s0;
	s1 =	sshll.u32 s1, $0x11  }
0xc3: {  	s0 =	sor.u32 s1, s0  }
0xc4: {  	s0 =	sadd.s32 $0x8F2B, s0  }
0xc5: {  	[sflag:s0] =	ssyncadd.remote.s32 $0x1  }
0xc6: {  	_ =	sfence.sel $0xFFFF  }
0xc7: {  	[dreg:$0x0] =	wrdreg $0xFFFFFFFF;
	(pc) =	sbr.abs _section_cstart, $3  }
0xc8: {  	[dreg:$0x1] =	wrdreg $0xFFFFFFFF  }
0xc9: {  	_ =	task.clear_ibuf [dreg:s8], $0x2FFFF;
	_ =	strace $0x9FFFFFFF  }
0xca: {  	(tm) =	ssettm $0x7FFFFFFF  }
0xcb: {  	_ =	shalt  }
tec
execute0_lowered:
.L_overlay_start_1:
0x0: {  	(tag) =	ssettag $0x1  }
0x1: {  	s1 =	rddreg [dreg:$0x0]  }
0x2: {  	s0 =	rddreg [dreg:$0x1]  }
0x3: {  	s2 =	rddreg [dreg:$0x2]  }
0x4: {  	s4 =	srdreg.scid;
	s26 =	stileid.u32  }
0x5: {  	s3 =	rddreg [dreg:$0x3];
	s7 =	smul.u32 $0x14000, s26  }
0x6: {  	s28 =	simm.s32 $0x1;
	s29 =	simm.s32 $0x2;
	s8 =	smul.u32 $0x50000, s26  }
0x7: {  	s30 =	simm.s32 $0x0;
	s6 =	sand.u32 $0x1, s4;
	s16 =	smul.u32 $0x4E000, s26  }
0x8: {  	s4 =	simm.s32 $0x0;
	s18 =	sshll.u32 s26, $0x1;
	s5 =	smul.u32 $0x140000, s6  }
0x9: {  	p0 =	sgt.u32 s26, $0x1;
	s13 =	sor.u32 s6, s18;
	s18 =	smul.u32 $0x4E00, s26  }
0xa: {  	[smem:$0x7FF] =	sst s4;
	s19 =	ssub.s32 $0x2, s6;
	s10 =	smul.u32 $0x27000, s13  }
0xb: {  	s26 =	simm.s32 $0x3;
	_ =	strace $0x8000004D;
	s11 =	smul.u32 $0x2700, s13  }
0xc: {  	s20 =	sshrl.u32 s19, $0x1;
	s8 =	sshrl.u32 s8, $0x2;
	s12 =	smul.u32 $0x4E0, s13  }
0xd: {  	s13 =	sshll.u32 s13, $0x7;
	s17 =	ssub.s32 s19, s20;
	s19 =	smul.u32 $0x2700, s6  }
0xe: {  	s5 =	sadd.s32 s7, s5;
	s15 =	sor.u32 $0x4E000, s13;
	s6 =	smul.u32 $0x27000, s6  }
0xf: {  	s5 =	sshrl.u32 s5, $0x3;
	s14 =	sadd.s32 $0x2680, s11;
	s10 =	sadd.s32 s1, s10  }
0x10: {  	s11 =	sadd.s32 s0, s12;
	s25 =	sshll.u32 s15, $0x4;
	s15 =	sshrl.u32 s15, $0x3  }
0x11: {  	s17 =	smax.u32 s17, $0x1;
	s2 =	sadd.s32 s5, s2;
	s5 =	sadd.s32 s8, s3  }
0x12: {  	s24 =	sshll.u32 s14, $0x4;
	s14 =	sshrl.u32 s14, $0x3;
	s15 =	sadd.s32 s0, s15  }
0x13: {  	s19 =	sadd.s32 s19, s18;
	s21 =	sadd.s32 $0x4000, s5;
	s22 =	sadd.s32 $0x8000, s5  }
0x14: {  	s23 =	sadd.s32 $0xC000, s5;
	s9 =	sadd.s32 $0x10000, s5;
	s12 =	sadd.s32 s1, s24  }
0x15: {  	s13 =	sadd.s32 s0, s14;
	s14 =	sadd.s32 s1, s25;
	s1 =	sadd.s32 s16, s1  }
0x16: {  	s16 =	sadd.s32 $0x1400, s2;
	s31 =	sor.u32 $0x80, s19;
	[dreg:$0x5] =	wrdreg s21  }
0x17: {  	s24 =	simm.s32 $0x8080;
	s25 =	simm.s32 $0x80;
	[dreg:$0x6] =	wrdreg s22  }
0x18: {  	[dreg:$0x7] =	wrdreg s23;
	s1 =	sadd.s32 s6, s1;
	s2 =	sshrl.u32 s31, $0x3  }
0x19: {  	s21 =	simm.s32 $0x4;
	s22 =	simm.s32 $0x8000;
	s23 =	simm.s32 $0x4000  }
0x1a: {  	v0 =	vimm.f32 $0.0e+00;
	s18 =	sadd.s32 $0x1000, s1;
	s1 =	sadd.s32 $0x100, s19;
	s20 =	sadd.s32 s2, s0  }
.LBB2_1:
0x1b: {  	s2 =	simm.s32 $0x0;
	s6 =	simm.s32 $0x200  }
.LBB2_2:
0x1c: {  	p1 =	sne.s32 s6, $0xFE00;
	[tilespmem:s2+$0x70] =	vst v0  }
0x1d: {  	[tilespmem:s2+$0x0] =	vst v0  }
0x1e: {  	[tilespmem:s2+$0x10] =	vst v0  }
.Ltmp0:
0x1f: {  	[tilespmem:s2+$0x20] =	vst v0;
	(pc) =	sbr.rel @p1 .LBB2_2-.Ltmp0, $4  }
0x20: {  	[tilespmem:s2+$0x30] =	vst v0  }
0x21: {  	[tilespmem:s2+$0x40] =	vst v0  }
0x22: {  	[tilespmem:s2+$0x50] =	vst v0  }
0x23: {  	[tilespmem:s2+$0x60] =	vst v0;
	s2 =	sshra.s32 s6, $0x2;
	s6 =	sadd.s32 $0x200, s6  }
0x24: {  	[tilespmem:s2+$0x70] =	vst v0  }
0x25: {  	[tilespmem:s2+$0x0] =	vst v0  }
0x26: {  	[tilespmem:s2+$0x10] =	vst v0  }
0x27: {  	[tilespmem:s2+$0x20] =	vst v0  }
0x28: {  	[tilespmem:s2+$0x30] =	vst v0  }
0x29: {  	[tilespmem:s2+$0x40] =	vst v0  }
0x2a: {  	[tilespmem:s2+$0x50] =	vst v0  }
0x2b: {  	[tilespmem:s2+$0x60] =	vst v0;
	s7 =	simm.s32 $0x0  }
0x2c: {  	[spmem:s5] =	stream.linear.scatter [tilespmem:s7], [sflag:$0x4], $0x4000, $0x38;
	[tilespmem:$0x1C100] =	vst v63  }
0x2d: {  	_ =	swait.ge [sflag:s21], $0x4000  }
0x2e: {  	[sflag:s21] =	ssyncset.done $0x0  }
0x2f: {  	s6 =	rddreg [dreg:$0x5];
	[sflag:s21] =	ssyncadd.s32 $0xFFFFC000  }
0x30: {  	[spmem:s6] =	stream.linear.scatter [tilespmem:s7], [sflag:$0x4], $0x4000, $0x38;
	[tilespmem:$0x1C100] =	vst v63  }
0x31: {  	_ =	swait.ge [sflag:s21], $0x4000  }
0x32: {  	[sflag:s21] =	ssyncset.done $0x0  }
0x33: {  	s8 =	rddreg [dreg:$0x6];
	[sflag:s21] =	ssyncadd.s32 $0xFFFFC000  }
0x34: {  	[spmem:s8] =	stream.linear.scatter [tilespmem:s7], [sflag:$0x4], $0x4000, $0x38;
	[tilespmem:$0x1C100] =	vst v63  }
0x35: {  	_ =	swait.ge [sflag:s21], $0x4000  }
0x36: {  	[sflag:s21] =	ssyncset.done $0x0  }
0x37: {  	s19 =	rddreg [dreg:$0x7];
	[sflag:s21] =	ssyncadd.s32 $0xFFFFC000  }
0x38: {  	[spmem:s19] =	stream.linear.scatter [tilespmem:s7], [sflag:$0x4], $0x4000, $0x38;
	[tilespmem:$0x1C100] =	vst v63  }
0x39: {  	_ =	swait.ge [sflag:s21], $0x4000  }
0x3a: {  	[sflag:s21] =	ssyncset.done $0x0  }
0x3b: {  	[sflag:s21] =	ssyncadd.s32 $0xFFFFC000  }
0x3c: {  	[spmem:s9] =	stream.linear.scatter [tilespmem:s7], [sflag:$0x4], $0x4000, $0x38;
	[tilespmem:$0x1C100] =	vst v63  }
0x3d: {  	_ =	swait.ge [sflag:s21], $0x4000  }
0x3e: {  	[sflag:s21] =	ssyncset.done $0x0  }
0x3f: {  	[sflag:s21] =	ssyncadd.s32 $0xFFFFC000  }
0x40: {  	[bflag:$0x0] =	sbarrier.arrive $0xFFFF  }
0x41: {  	[tilespmem:s7], [sflag:$0x4] =	stream.linear.gather [hbm4b:s10+s7], $0x4000, $0x38;
	[tilespmem:$0x1C100] =	vst v63  }
0x42: {  	_ =	swait.ge [sflag:s21], $0x4000  }
0x43: {  	[sflag:s21] =	ssyncset.done $0x0  }
0x44: {  	[sflag:s21] =	ssyncadd.s32 $0xFFFFC000  }
0x45: {  	[tilespmem:s22], [sflag:$0x4] =	stream.linear.gather [hbm4b:s11+s7], $0x80, $0x38;
	[tilespmem:$0x1C100] =	vst v63  }
0x46: {  	_ =	swait.ge [sflag:s21], $0x80  }
0x47: {  	[sflag:s21] =	ssyncset.done $0x0  }
0x48: {  	s7 =	sadd.s32 $0xFFFFF800, s18;
	[sflag:s21] =	ssyncadd.s32 $0xFFFFFF80  }
0x49: {  	[tilespmem:s23], [sflag:$0x1] =	stream.linear.gather [hbm4b:s7+s4], $0x4000, $0x38;
	[tilespmem:$0x1C100] =	vst v63  }
0x4a: {  	s8 =	sadd.s32 $0x0, s20  }
0x4b: {  	[tilespmem:s24], [sflag:$0x2] =	stream.linear.gather [hbm4b:s8+s4], $0x80, $0x38;
	[tilespmem:$0x1C100] =	vst v63  }
0x4c: {  	_ = 	snop  }
0x4d: {  	[spmem:s3] =	stream.indirect.scatter.add.f32 [tilespmem:s4], [sflag:$0x3], $0x80, s22, s25, $0xb8;
	[tilespmem:$0x1C100] =	vst v63  }
0x4e: {  	_ =	swait.ge [sflag:s26], $0x4000  }
0x4f: {  	[sflag:s26] =	ssyncset.done $0x0  }
0x50: {  	[sflag:s26] =	ssyncadd.s32 $0xFFFFC000  }
0x51: {  	_ =	swait.ge [sflag:s28], $0x4000  }
0x52: {  	[sflag:s28] =	ssyncset.done $0x0  }
0x53: {  	[sflag:s28] =	ssyncadd.s32 $0xFFFFC000  }
0x54: {  	_ =	swait.ge [sflag:s29], $0x80  }
0x55: {  	[sflag:s29] =	ssyncset.done $0x0  }
0x56: {  	s19 =	sshrl.u32 s1, $0x3;
	[sflag:s29] =	ssyncadd.s32 $0xFFFFFF80  }
0x57: {  	[tilespmem:s4], [sflag:$0x1] =	stream.linear.gather [hbm4b:s18+s4], $0x4000, $0x38;
	[tilespmem:$0x1C100] =	vst v63  }
0x58: {  	s2 =	sadd.s32 s0, s19  }
0x59: {  	[tilespmem:s22], [sflag:$0x2] =	stream.linear.gather [hbm4b:s2+s4], $0x80, $0x38;
	[tilespmem:$0x1C100] =	vst v63  }
0x5a: {  	_ = 	snop  }
0x5b: {  	[spmem:s3] =	stream.indirect.scatter.add.f32 [tilespmem:s23], [sflag:$0x3], $0x80, s24, s25, $0xb8;
	[tilespmem:$0x1C100] =	vst v63  }
0x5c: {  	_ =	swait.ge [sflag:s26], $0x4000  }
0x5d: {  	[sflag:s26] =	ssyncset.done $0x0  }
0x5e: {  	[sflag:s26] =	ssyncadd.s32 $0xFFFFC000  }
0x5f: {  	_ =	swait.ge [sflag:s28], $0x4000  }
0x60: {  	[sflag:s28] =	ssyncset.done $0x0  }
0x61: {  	[sflag:s28] =	ssyncadd.s32 $0xFFFFC000  }
0x62: {  	s31 =	sadd.s32 $0x1000, s18;
	s6 =	simm.s32 $0x40;
	_ =	swait.ge [sflag:s29], $0x80  }
0x63: {  	s19 =	smov.u32 s1;
	s2 =	simm.s32 $0x20;
	[sflag:s29] =	ssyncset.done $0x0  }
.LBB2_4:
0x64: {  	s7 =	sadd.s32 $0xFFFFF800, s31  }
0x65: {  	[sflag:s29] =	ssyncadd.s32 $0xFFFFFF80;
	s19 =	sadd.s32 $0x100, s19;
	s8 =	smov.u32 s6  }
0x66: {  	[tilespmem:s23], [sflag:$0x1] =	stream.linear.gather [hbm4b:s7+s4], $0x4000, $0x38;
	[tilespmem:$0x1C100] =	vst v63  }
0x67: {  	p1 =	sne.s32 s6, $0x4A0;
	s6 =	sadd.s32 $0x20, s6;
	s2 =	sadd.s32 s2, s20  }
0x68: {  	[tilespmem:s24], [sflag:$0x2] =	stream.linear.gather [hbm4b:s2+s4], $0x80, $0x38;
	[tilespmem:$0x1C100] =	vst v63  }
0x69: {  	s2 =	smov.u32 s8  }
0x6a: {  	[spmem:s3] =	stream.indirect.scatter.add.f32 [tilespmem:s4], [sflag:$0x3], $0x80, s22, s25, $0xb8;
	[tilespmem:$0x1C100] =	vst v63  }
0x6b: {  	_ =	swait.ge [sflag:s26], $0x4000  }
0x6c: {  	[sflag:s26] =	ssyncset.done $0x0  }
0x6d: {  	[sflag:s26] =	ssyncadd.s32 $0xFFFFC000  }
0x6e: {  	_ =	swait.ge [sflag:s28], $0x4000  }
0x6f: {  	[sflag:s28] =	ssyncset.done $0x0  }
0x70: {  	[sflag:s28] =	ssyncadd.s32 $0xFFFFC000  }
0x71: {  	_ =	swait.ge [sflag:s29], $0x80  }
0x72: {  	[sflag:s29] =	ssyncset.done $0x0  }
0x73: {  	s7 =	sshrl.u32 s19, $0x3;
	[sflag:s29] =	ssyncadd.s32 $0xFFFFFF80  }
0x74: {  	[tilespmem:s4], [sflag:$0x1] =	stream.linear.gather [hbm4b:s31+s4], $0x4000, $0x38;
	[tilespmem:$0x1C100] =	vst v63  }
0x75: {  	s7 =	sadd.s32 s0, s7  }
0x76: {  	[tilespmem:s22], [sflag:$0x2] =	stream.linear.gather [hbm4b:s7+s4], $0x80, $0x38;
	[tilespmem:$0x1C100] =	vst v63  }
0x77: {  	_ = 	snop  }
0x78: {  	[spmem:s3] =	stream.indirect.scatter.add.f32 [tilespmem:s23], [sflag:$0x3], $0x80, s24, s25, $0xb8;
	[tilespmem:$0x1C100] =	vst v63  }
0x79: {  	_ =	swait.ge [sflag:s26], $0x4000  }
0x7a: {  	[sflag:s26] =	ssyncset.done $0x0  }
0x7b: {  	[sflag:s26] =	ssyncadd.s32 $0xFFFFC000  }
.Ltmp1:
0x7c: {  	_ =	swait.ge [sflag:s28], $0x4000;
	(pc) =	sbr.rel @p1 .LBB2_4-.Ltmp1, $4  }
0x7d: {  	[sflag:s28] =	ssyncset.done $0x0  }
0x7e: {  	[sflag:s28] =	ssyncadd.s32 $0xFFFFC000  }
0x7f: {  	_ =	swait.ge [sflag:s29], $0x80  }
0x80: {  	s31 =	sadd.s32 $0x1000, s31;
	[sflag:s29] =	ssyncset.done $0x0  }
0x81: {  	s6 =	sadd.s32 $0xFFFFF800, s31;
	[sflag:s29] =	ssyncadd.s32 $0xFFFFFF80  }
0x82: {  	[tilespmem:s23], [sflag:$0x1] =	stream.linear.gather [hbm4b:s6+s4], $0x4000, $0x38;
	[tilespmem:$0x1C100] =	vst v63  }
0x83: {  	s2 =	sadd.s32 s2, s20  }
0x84: {  	[tilespmem:s24], [sflag:$0x2] =	stream.linear.gather [hbm4b:s2+s4], $0x80, $0x38;
	[tilespmem:$0x1C100] =	vst v63  }
0x85: {  	_ = 	snop  }
0x86: {  	[spmem:s3] =	stream.indirect.scatter.add.f32 [tilespmem:s4], [sflag:$0x3], $0x80, s22, s25, $0xb8;
	[tilespmem:$0x1C100] =	vst v63  }
0x87: {  	_ =	swait.ge [sflag:s26], $0x4000  }
0x88: {  	[sflag:s26] =	ssyncset.done $0x0  }
0x89: {  	[sflag:s26] =	ssyncadd.s32 $0xFFFFC000  }
0x8a: {  	_ =	swait.ge [sflag:s28], $0x4000  }
0x8b: {  	[sflag:s28] =	ssyncset.done $0x0  }
0x8c: {  	[sflag:s28] =	ssyncadd.s32 $0xFFFFC000  }
0x8d: {  	_ =	swait.ge [sflag:s29], $0x80  }
0x8e: {  	s8 =	sadd.s32 $0x100, s19;
	[sflag:s29] =	ssyncset.done $0x0  }
0x8f: {  	s2 =	sshrl.u32 s8, $0x3;
	[sflag:s29] =	ssyncadd.s32 $0xFFFFFF80  }
0x90: {  	[tilespmem:s4], [sflag:$0x1] =	stream.linear.gather [hbm4b:s31+s4], $0x4000, $0x38;
	[tilespmem:$0x1C100] =	vst v63  }
0x91: {  	s2 =	sadd.s32 s0, s2  }
0x92: {  	[tilespmem:s22], [sflag:$0x2] =	stream.linear.gather [hbm4b:s2+s4], $0x80, $0x38;
	[tilespmem:$0x1C100] =	vst v63  }
0x93: {  	_ = 	snop  }
0x94: {  	[spmem:s3] =	stream.indirect.scatter.add.f32 [tilespmem:s23], [sflag:$0x3], $0x80, s24, s25, $0xb8;
	[tilespmem:$0x1C100] =	vst v63  }
0x95: {  	_ =	swait.ge [sflag:s26], $0x4000  }
0x96: {  	[sflag:s26] =	ssyncset.done $0x0  }
0x97: {  	[sflag:s26] =	ssyncadd.s32 $0xFFFFC000  }
0x98: {  	_ =	swait.ge [sflag:s28], $0x4000  }
0x99: {  	[sflag:s28] =	ssyncset.done $0x0  }
0x9a: {  	[sflag:s28] =	ssyncadd.s32 $0xFFFFC000  }
0x9b: {  	_ =	swait.ge [sflag:s29], $0x80  }
0x9c: {  	[sflag:s29] =	ssyncset.done $0x0  }
0x9d: {  	[sflag:s29] =	ssyncadd.s32 $0xFFFFFF80  }
0x9e: {  	[tilespmem:s23], [sflag:$0x1] =	stream.linear.gather [hbm4b:s12+s4], $0x4000, $0x38;
	[tilespmem:$0x1C100] =	vst v63  }
0x9f: {  	_ = 	snop  }
0xa0: {  	[tilespmem:s24], [sflag:$0x2] =	stream.linear.gather [hbm4b:s13+s4], $0x80, $0x38;
	[tilespmem:$0x1C100] =	vst v63  }
0xa1: {  	_ = 	snop  }
0xa2: {  	[spmem:s3] =	stream.indirect.scatter.add.f32 [tilespmem:s4], [sflag:$0x3], $0x80, s22, s25, $0xb8;
	[tilespmem:$0x1C100] =	vst v63  }
0xa3: {  	_ =	swait.ge [sflag:s26], $0x4000  }
0xa4: {  	[sflag:s26] =	ssyncset.done $0x0  }
0xa5: {  	[sflag:s26] =	ssyncadd.s32 $0xFFFFC000  }
0xa6: {  	_ =	swait.ge [sflag:s28], $0x4000  }
0xa7: {  	[sflag:s28] =	ssyncset.done $0x0  }
0xa8: {  	[sflag:s28] =	ssyncadd.s32 $0xFFFFC000  }
0xa9: {  	_ =	swait.ge [sflag:s29], $0x80  }
0xaa: {  	[sflag:s29] =	ssyncset.done $0x0  }
0xab: {  	[sflag:s29] =	ssyncadd.s32 $0xFFFFFF80  }
0xac: {  	[spmem:s3] =	stream.indirect.scatter.add.f32 [tilespmem:s23], [sflag:$0x3], $0x80, s24, s25, $0xb8;
	[tilespmem:$0x1C100] =	vst v63  }
0xad: {  	_ =	swait.ge [sflag:s26], $0x4000  }
0xae: {  	s7 =	simm.s32 @!p0 $0x4;
	[sflag:s26] =	ssyncset.done $0x0  }
0xaf: {  	s6 =	simm.s32 @!p0 $0x4000;
	s2 =	simm.s32 @!p0 $0x0;
	[sflag:s26] =	ssyncadd.s32 $0xFFFFC000  }
0xb0: {  	[tilespmem:s6], [sflag:$0x4] =	stream.linear.gather @!p0 [hbm4b:s14+s2], $0x4000, $0x38;
	[tilespmem:$0x1C100] =	vst v63  }
0xb1: {  	_ =	swait.ge @!p0 [sflag:s7], $0x4000  }
0xb2: {  	[sflag:s7] =	ssyncset.done @!p0 $0x0  }
0xb3: {  	s8 =	simm.s32 @!p0 $0x8080;
	[sflag:s7] =	ssyncadd.s32 @!p0 $0xFFFFC000  }
0xb4: {  	[tilespmem:s8], [sflag:$0x4] =	stream.linear.gather @!p0 [hbm4b:s15+s2], $0x80, $0x38;
	[tilespmem:$0x1C100] =	vst v63  }
0xb5: {  	_ =	swait.ge @!p0 [sflag:s7], $0x80  }
0xb6: {  	[sflag:s7] =	ssyncset.done @!p0 $0x0  }
0xb7: {  	s2 =	simm.s32 @!p0 $0x80;
	[sflag:s7] =	ssyncadd.s32 @!p0 $0xFFFFFF80  }
0xb8: {  	[spmem:s3] =	stream.indirect.scatter.add.f32 @!p0 [tilespmem:s6], [sflag:$0x3], $0x80, s8, s2, $0xb8;
	[tilespmem:$0x1C100] =	vst v63  }
0xb9: {  	s2 =	simm.s32 @!p0 $0x3  }
0xba: {  	s30 =	sadd.s32 $0x1, s30;
	_ =	swait.ge @!p0 [sflag:s2], $0x4000  }
0xbb: {  	s19 =	stileid.u32;
	p1 =	sne.s32 s30, s17;
	[sflag:s2] =	ssyncset.done @!p0 $0x0  }
0xbc: {  	s31 =	sshrl.u32 s5, $0x3;
	[sflag:s2] =	ssyncadd.s32 @!p0 $0xFFFFC000;
	s2 =	sshll.u32 s19, $0x6  }
.Ltmp2:
0xbd: {  	[bflag:$0x0] =	sbarrier.arrive $0xFFFF;
	s2 =	sor.u32 $0x1C04, s2;
	(pc) =	sbr.rel @p1 .LBB2_1-.Ltmp2, $4  }
0xbe: {  	[hbm:s16], [sflag:s2] =	dma.local [spmem:s31], $0x2800  }
0xbf: {  	_ =	swait.ge [sflag:s21], $0x2800  }
0xc0: {  	[sflag:s21] =	ssyncset.done $0x0  }
0xc1: {  	[sflag:s21] =	ssyncadd.s32 $0xFFFFD800  }
0xc2: {  	_ =	sfence.sel $0x180000  }
0xc3: {  	[bflag:$0x0] =	sbarrier.arrive $0xFFFF  }
0xc4: {  	_ =	strace $0x9000004D  }
0xc5: {  	s0 =	stileid.u32;
	[bflag:$0x2] =	sbarrier.arrive $0xFFFF  }
0xc6: {  	p0 =	sne.s32 s0, $0x0;
	s0 =	rddreg [dreg:$0x4]  }
0xc7: {  	s0 =	sadd.s32 @!p0 $0x100000, s0  }
0xc8: {  	[sflag:s0] =	ssyncadd.tile.s32 @!p0 $0x1;
	_ =	shalt  }
.Lfunc_end2:
_tile_overlayer_lowered:
.L_overlay_start_2:
0xc9: {  	(tag) =	ssettag $0x2  }
0xca: {  	s0 =	rddreg [dreg:$0x0];
	s2 =	stileid.u32  }
0xcb: {  	s1 =	rddreg [dreg:$0x1];
	p0 =	sne.s32 s2, $0x0  }
0xcc: {  	s3 =	rddreg [dreg:$0x2];
	[bflag:$0x3] =	sbarrier.arrive $0xFFFF;
	s2 =	simm.s32 @!p0 $0x1C04  }
0xcd: {  	[timem:s3], [sflag:s2] =	dma.local @!p0 [hbm:s0], s1  }
0xce: {  	s0 =	simm.s32 @!p0 $0x4  }
0xcf: {  	_ =	swait.ge @!p0 [sflag:s0], s1  }
0xd0: {  	s1 =	ssub.s32 @!p0 $0x0, s1;
	[sflag:s0] =	ssyncset.done @!p0 $0x0  }
0xd1: {  	[sflag:s0] =	ssyncadd.s32 @!p0 s1  }
0xd2: {  	[bflag:$0x3] =	sbarrier.arrive $0xFFFF  }
0xd3: {  	_ =	shalt  }

// kernel: kernel.8.cloned.1.call-start
scs
__scs_entry_jumppad:
0x0: {  	(pc) =	sbr.rel $0x88, $3  }
0x1: {  	(tag) =	ssettag $0x0;
	lr =	simm.s32 $0x1  }
0x2: {  	[smem:$0x3F98] =	sst lr;
	_ =	strace $0xD0000000  }
0x3: {  	_ = 	snop  }
0x4: {  	_ = 	snop  }
0x5: {  	_ = 	snop  }
0x6: {  	_ = 	snop  }
0x7: {  	_ = 	snop  }
__scs_overlays_trampoline_lowered:
0x8: {  	[smem:$0x3FA7] =	sst s0  }
0x9: {  	[smem:$0x3FA8] =	sst s1  }
0xa: {  	[smem:$0x3FA9] =	sst s2  }
0xb: {  	[smem:$0x3FAA] =	sst s3  }
0xc: {  	[smem:$0x3FAB] =	sst s4  }
0xd: {  	[smem:$0x3FAC] =	sst s5  }
0xe: {  	[smem:$0x3FAD] =	sst s6  }
0xf: {  	[smem:$0x3FAE] =	sst s7  }
0x10: {  	[smem:$0x3FAF] =	sst s8  }
0x11: {  	[smem:$0x3FB0] =	sst s9;
	s0 =	simm.s32 @!p0 $0x0  }
0x12: {  	s1 =	sld [smem:$0x3F96];
	s0 =	simm.s32 @p0 $0x1  }
0x13: {  	[smem:$0x3FB1] =	sst s0;
	s0 =	simm.s32 @!p1 $0x0  }
0x14: {  	s2 =	sld [smem:$0x3F95];
	s0 =	simm.s32 @p1 $0x1  }
0x15: {  	[smem:$0x3FB2] =	sst s0;
	s0 =	simm.s32 @!p2 $0x0  }
0x16: {  	s3 =	sld [smem:$0x3FDB];
	s0 =	simm.s32 @p2 $0x1  }
0x17: {  	s4 =	simm.s32 $0x1BF5;
	[smem:$0x3FB4] =	sst s0  }
0x18: {  	s0 =	sld [smem:$0x3F97];
	_ =	swait.ge [sflag:s4], $0x0  }
0x19: {  	s7 =	sld [smem:$0x3F98]  }
0x1a: {  	s8 =	sadd.s32 $0xFFFFE003, lr  }
0x1b: {  	s9 =	sadd.s32 $0xFFFFFEF7, lr;
	s5 =	simm.s32 $0xFFFFFFFF;
	p2 =	slt.u32 s8, $0xFFFFF086  }
0x1c: {  	p1 =	slt.u32 s9, $0xF7A;
	s5 =	simm.s32 @!p2 $0x0  }
0x1d: {  	s5 =	simm.s32 @p1 $0x1;
	p0 =	seq.s32 s7, s2  }
0x1e: {  	s7 =	smul.u32 @!p0 $0xF7A, s2;
	p2 =	seq.s32 @!p0 s5, $0x0  }
0x1f: {  	s9 =	smul.u32 $0xF7A, s1;
	s8 =	simm.s32 @!p0 $0x1BF5;
	p2 =	por !p2, p0  }
0x20: {  	[sflag:s8] =	ssyncset.s32 @!p0 $0xFFFFF086;
	s6 =	sadd.s32 @!p0 s3, s7;
	s7 =	simm.s32 @!p0 $0x108  }
0x21: {  	s3 =	sadd.s32 s3, s9;
	s6 =	sadd.s32 @!p0 $0x88, s6;
	s7 =	simm.s32 @p2 $0x1082  }
0x22: {  	[simem:s7], [sflag:s8] =	dma.local @!p0 [hbm:s6], $0xF7A  }
0x23: {  	s9 =	sor.u32 $0xD0000000, s2;
	s6 =	simm.s32 $0x108;
	_ =	swait.ge @!p0 [sflag:s8], $0x0  }
0x24: {  	s3 =	sadd.s32 $0x88, s3;
	s6 =	simm.s32 @!p1 $0x1082;
	[sflag:s4] =	ssyncset.s32 $0xFFFFF086  }
0x25: {  	[simem:s6], [sflag:s4] =	dma.local [hbm:s3], $0xF7A  }
0x26: {  	[smem:$0x3F98] =	sst s1;
	(tag) =	ssettag s2;
	_ =	strace s9  }
0x27: {  	s1 =	sld [smem:$0x3FA8]  }
0x28: {  	s2 =	sld [smem:$0x3FA9]  }
0x29: {  	s4 =	sld [smem:$0x3FAB]  }
0x2a: {  	p0 =	seq.s32 s5, $0x0;
	s5 =	sld [smem:$0x3FAC]  }
0x2b: {  	s6 =	sld [smem:$0x3FAD]  }
0x2c: {  	s7 =	sld [smem:$0x3FAE]  }
0x2d: {  	s3 =	simm.s32 $0x108;
	s8 =	sld [smem:$0x3FAF]  }
0x2e: {  	s3 =	simm.s32 @!p0 $0x1082;
	s9 =	sld [smem:$0x3FB0]  }
0x2f: {  	lr =	sadd.s32 s0, s3;
	s0 =	sld [smem:$0x3FA7]  }
0x30: {  	s3 =	sld [smem:$0x3FAA]  }
0x31: {  	[smem:$0x3FB3] =	sst s10  }
0x32: {  	s10 =	sld [smem:$0x3FB1];
	_ =	sdelay $0x3  }
0x33: {  	p0 =	seq.s32 s10, $0x1;
	s10 =	sld [smem:$0x3FB3];
	_ =	sdelay $0x3  }
0x34: {  	[smem:$0x3FB3] =	sst s10  }
0x35: {  	s10 =	sld [smem:$0x3FB2];
	_ =	sdelay $0x3  }
0x36: {  	p1 =	seq.s32 s10, $0x1;
	s10 =	sld [smem:$0x3FB3];
	_ =	sdelay $0x3  }
0x37: {  	[smem:$0x3FB3] =	sst s10  }
0x38: {  	s10 =	sld [smem:$0x3FB4]  }
0x39: {  	_ = 	snop;
	(pc) =	sbr.ind lr, $3  }
0x3a: {  	_ = 	snop  }
0x3b: {  	_ = 	snop  }
0x3c: {  	p2 =	seq.s32 s10, $0x1;
	s10 =	sld [smem:$0x3FB3]  }
0x3d: {  	_ =	shalt  }
0x3e: {  	_ =	shalt  }
0x3f: {  	_ =	shalt  }
0x40: {  	_ =	shalt  }
0x41: {  	_ =	shalt  }
0x42: {  	_ =	shalt  }
0x43: {  	_ =	shalt  }
0x44: {  	_ =	shalt  }
0x45: {  	_ =	shalt  }
0x46: {  	_ =	shalt  }
0x47: {  	_ =	shalt  }
0x48: {  	_ =	shalt  }
0x49: {  	_ =	shalt  }
0x4a: {  	_ =	shalt  }
0x4b: {  	_ =	shalt  }
0x4c: {  	_ =	shalt  }
0x4d: {  	_ =	shalt  }
0x4e: {  	_ =	shalt  }
0x4f: {  	_ =	shalt  }
0x50: {  	_ =	shalt  }
0x51: {  	_ =	shalt  }
0x52: {  	_ =	shalt  }
0x53: {  	_ =	shalt  }
0x54: {  	_ =	shalt  }
0x55: {  	_ =	shalt  }
0x56: {  	_ =	shalt  }
0x57: {  	_ =	shalt  }
0x58: {  	_ =	shalt  }
0x59: {  	_ =	shalt  }
0x5a: {  	_ =	shalt  }
0x5b: {  	_ =	shalt  }
0x5c: {  	_ =	shalt  }
0x5d: {  	_ =	shalt  }
0x5e: {  	_ =	shalt  }
0x5f: {  	_ =	shalt  }
0x60: {  	_ =	shalt  }
0x61: {  	_ =	shalt  }
0x62: {  	_ =	shalt  }
0x63: {  	_ =	shalt  }
0x64: {  	_ =	shalt  }
0x65: {  	_ =	shalt  }
0x66: {  	_ =	shalt  }
0x67: {  	_ =	shalt  }
0x68: {  	_ =	shalt  }
0x69: {  	_ =	shalt  }
0x6a: {  	_ =	shalt  }
0x6b: {  	_ =	shalt  }
0x6c: {  	_ =	shalt  }
0x6d: {  	_ =	shalt  }
0x6e: {  	_ =	shalt  }
0x6f: {  	_ =	shalt  }
0x70: {  	_ =	shalt  }
0x71: {  	_ =	shalt  }
0x72: {  	_ =	shalt  }
0x73: {  	_ =	shalt  }
0x74: {  	_ =	shalt  }
0x75: {  	_ =	shalt  }
0x76: {  	_ =	shalt  }
0x77: {  	_ =	shalt  }
0x78: {  	_ =	shalt  }
0x79: {  	_ =	shalt  }
0x7a: {  	_ =	shalt  }
0x7b: {  	_ =	shalt  }
0x7c: {  	_ =	shalt  }
0x7d: {  	_ =	shalt  }
0x7e: {  	_ =	shalt  }
0x7f: {  	_ =	shalt  }
0x80: {  	_ =	shalt  }
0x81: {  	_ =	shalt  }
0x82: {  	_ =	shalt  }
0x83: {  	_ =	shalt  }
0x84: {  	_ =	shalt  }
0x85: {  	_ =	shalt  }
0x86: {  	_ =	shalt  }
0x87: {  	_ =	shalt  }
.Lfunc_end0:
.L_simem_size_0:
called_computation_lowered:
.L_overlay_start_0:
0x88: {  	s2 =	sld [smem:$0x3FD9]  }
0x89: {  	s3 =	sld [smem:$0x3FFE];
	_ =	sdelay $0x1  }
0x8a: {  	s1 =	srdreg.scid  }
0x8b: {  	s0 =	sand.u32 $0x1, s1  }
0x8c: {  	s17 =	sshll.u32 s0, $0xA;
	s2 =	sadd.s32 s3, s2  }
0x8d: {  	s2 =	sadd.s32 s2, s17  }
0x8e: {  	[smem:$0x3FBF] =	sst s2  }
0x8f: {  	_ = 	snop  }
0x90: {  	s2 =	sld [smem:$0x3FC9];
	(tm) =	ssettm $0x1  }
0x91: {  	s18 =	sld [smem:$0x3FFB];
	_ =	sdelay $0x3  }
0x92: {  	_ =	strace s18  }
0x93: {  	s3 =	sld [smem:$0x3FFC];
	_ =	sdelay $0x3  }
0x94: {  	_ =	strace s3  }
0x95: {  	s3 =	sld [smem:$0x3FFD];
	_ =	sdelay $0x3  }
0x96: {  	_ =	strace s3  }
0x97: {  	_ =	strace $0x8FFFFFFF  }
0x98: {  	s19 =	sld [smem:$0x3FDB];
	_ =	sdelay $0x1  }
0x99: {  	s4 =	simm.s32 $_scs_section_size  }
0x9a: {  	s5 =	simm.s32 $_size__tile_overlayer_lowered;
	s6 =	simm.s32 $_tile_overlayer_lowered  }
0x9b: {  	s22 =	simm.s32 $0x1BFF;
	s21 =	sshll.u32 s6, $0x1;
	s3 =	sadd.s32 s4, s19  }
0x9c: {  	s7 =	simm.s32 $0x0;
	s20 =	sshll.u32 s5, $0x1;
	s5 =	sadd.s32 s21, s3  }
0x9d: {  	[timem:s7], [sflag:s22] =	dma.local [hbm:s5], s20  }
0x9e: {  	_ =	swait.ge [sflag:s22], s20  }
0x9f: {  	s4 =	ssub.s32 $0x0, s20;
	[sflag:s22] =	ssyncset.done $0x0  }
0xa0: {  	[sflag:s22] =	ssyncadd.s32 s4;
	_ =	sdelay $0x1  }
0xa1: {  	s23 =	simm.s32 $0x1B8B  }
0xa2: {  	_ =	swait.ge [sflag:s23], $0x1  }
0xa3: {  	[sflag:s23] =	ssyncset.done $0x0  }
0xa4: {  	s25 =	simm.s32 $0x1B8E;
	s24 =	sld [smem:$0x3FFE];
	[sflag:s23] =	ssyncadd.s32 $0xFFFFFFFF  }
0xa5: {  	s26 =	simm.s32 $execute0_lowered;
	[smem:$0x3FD2] =	sst s25  }
0xa6: {  	s5 =	sshll.u32 s26, $0x1;
	_ =	strace $0x80000046;
	[dreg:$0x1] =	wrdreg $0xFFFFFFFF  }
0xa7: {  	s28 =	simm.s32 $_size_execute0_lowered;
	s3 =	sadd.s32 s3, s5;
	[dreg:$0x0] =	wrdreg $0x0  }
0xa8: {  	s5 =	sshll.u32 s28, $0x1;
	[dreg:$0x2] =	wrdreg s3  }
0xa9: {  	[dreg:$0x3] =	wrdreg s5  }
0xaa: {  	[dreg:$0x4] =	wrdreg $0xC0  }
0xab: {  	_ =	task [dreg:s7], $0x5FFFF  }
0xac: {  	[dreg:$0x1] =	wrdreg $0xFFFFFFFF  }
0xad: {  	[dreg:$0x0] =	wrdreg $0x60  }
0xae: {  	[dreg:$0x2] =	wrdreg s2  }
0xaf: {  	[dreg:$0x3] =	wrdreg s24  }
0xb0: {  	[dreg:$0x4] =	wrdreg $0x9  }
0xb1: {  	_ =	task.clear_ibuf [dreg:s7], $0x5FFFF;
	_ =	strace $0x90000046  }
0xb2: {  	s29 =	simm.s32 $0x9;
	_ =	strace $0x80000048  }
0xb3: {  	_ =	swait.ge [sflag:s29], $0x1  }
0xb4: {  	[sflag:s29] =	ssyncadd.s32 $0xFFFFFFFF  }
0xb5: {  	_ =	strace $0x90000048  }
0xb6: {  	_ =	sfence  }
0xb7: {  	s30 =	sld [smem:$0x0];
	_ =	sdelay $0x2  }
0xb8: {  	s31 =	sshll.u32 s1, $0xD;
	s1 =	sshrl.u32 s1, $0x2  }
0xb9: {  	s3 =	sand.u32 $0x4000, s31;
	s1 =	sadd.s32 s1, s30  }
0xba: {  	s0 =	sor.u32 s3, s0;
	s1 =	sshll.u32 s1, $0x11  }
0xbb: {  	s0 =	sor.u32 s1, s0  }
0xbc: {  	s0 =	sadd.s32 $0x8F2B, s0  }
0xbd: {  	[sflag:s0] =	ssyncadd.remote.s32 $0x1  }
0xbe: {  	_ =	sfence.sel $0xFFFF  }
0xbf: {  	[dreg:$0x0] =	wrdreg $0xFFFFFFFF;
	(pc) =	sbr.abs _section_cstart, $3  }
0xc0: {  	[dreg:$0x1] =	wrdreg $0xFFFFFFFF  }
0xc1: {  	_ =	task.clear_ibuf [dreg:s7], $0x2FFFF;
	_ =	strace $0x9FFFFFFF  }
0xc2: {  	(tm) =	ssettm $0x7FFFFFFF  }
0xc3: {  	_ =	shalt  }
tec
execute0_lowered:
.L_overlay_start_1:
0x0: {  	(tag) =	ssettag $0x1  }
0x1: {  	s1 =	rddreg [dreg:$0x0]  }
0x2: {  	s3 =	rddreg [dreg:$0x1]  }
0x3: {  	s0 =	rddreg [dreg:$0x2]  }
0x4: {  	s4 =	srdreg.scid;
	s16 =	stileid.u32;
	s2 =	simm.s32 $0x0  }
0x5: {  	s13 =	simm.s32 $0x1;
	s14 =	simm.s32 $0x5400;
	s15 =	simm.s32 $0x2  }
0x6: {  	s6 =	sand.u32 $0x1, s4;
	s23 =	sshll.u32 s16, $0x1;
	s11 =	smul.u32 $0x138000, s16  }
0x7: {  	[smem:$0x7FF] =	sst s2;
	s7 =	sadd.s32 $0x1400, s3;
	s26 =	smul.u32 $0x27000, s16  }
0x8: {  	s8 =	sadd.s32 $0xB200, s3;
	p0 =	sne.s32 s16, $0x0;
	s12 =	smul.u32 $0x9C000, s6  }
0x9: {  	s16 =	simm.s32 $0x0;
	s4 =	sor.u32 s6, s23;
	s28 =	smul.u32 $0x13800, s6  }
0xa: {  	_ =	strace $0x80000047;
	s24 =	ssub.s32 $0x2, s6;
	s5 =	smul.u32 $0x1380, s4  }
0xb: {  	s25 =	sshll.u32 s6, $0x7;
	s9 =	sshrl.u32 s24, $0x1;
	s4 =	smul.u32 $0x9C000, s4  }
0xc: {  	s10 =	sor.u32 $0x27000, s25;
	s30 =	sadd.s32 s26, s8;
	s9 =	ssub.s32 s24, s9  }
0xd: {  	s11 =	sadd.s32 s12, s11;
	s31 =	sadd.s32 s28, s30;
	s12 =	simm.s32 $0x1400  }
0xe: {  	s5 =	sshrl.u32 s5, $0x3;
	s4 =	sshrl.u32 s4, $0x3;
	s29 =	sshrl.u32 s11, $0x3  }
0xf: {  	s11 =	simm.s32 $0x80;
	s3 =	sadd.s32 s7, s5;
	s4 =	sadd.s32 s8, s4  }
0x10: {  	s5 =	sshrl.u32 s10, $0x3;
	s10 =	sshll.u32 s10, $0x4;
	s4 =	sadd.s32 $0x13000, s4  }
0x11: {  	s5 =	sadd.s32 s7, s5;
	s6 =	sadd.s32 s8, s10;
	s7 =	smax.u32 s9, $0x1  }
0x12: {  	s8 =	sadd.s32 s29, s8;
	s9 =	sadd.s32 $0x800, s31;
	s10 =	simm.s32 $0x3  }
.LBB2_1:
0x13: {  	[tilespmem:s2], [sflag:$0x3] =	stream.linear.gather [hbm4b:s3+s2], $0x1380, $0x38;
	[tilespmem:$0x9400] =	vst v63  }
0x14: {  	_ =	swait.ge [sflag:s10], $0x1380  }
0x15: {  	[sflag:s10] =	ssyncset.done $0x0  }
0x16: {  	[sflag:s10] =	ssyncadd.s32 $0xFFFFEC80  }
0x17: {  	[tilespmem:s12], [sflag:$0x1] =	stream.indirect.gather [hbm4b:s1+s11], $0x80, s2, s11, $0xb8;
	[tilespmem:$0x9400] =	vst v63  }
0x18: {  	_ =	swait.ge [sflag:s13], $0x4000  }
0x19: {  	[sflag:s13] =	ssyncset.done $0x0  }
0x1a: {  	s17 =	sadd.s32 $0x0, s8;
	[sflag:s13] =	ssyncadd.s32 $0xFFFFC000  }
0x1b: {  	[hbm4b:s17+s2] =	stream.linear.scatter [tilespmem:s12], [sflag:$0x2], $0x4000, $0x38;
	[tilespmem:$0x9400] =	vst v63  }
0x1c: {  	s29 =	simm.s32 $0x80  }
0x1d: {  	[tilespmem:s14], [sflag:$0x1] =	stream.indirect.gather [hbm4b:s1+s11], $0x80, s29, s11, $0xb8;
	[tilespmem:$0x9400] =	vst v63  }
0x1e: {  	_ =	swait.ge [sflag:s13], $0x4000  }
0x1f: {  	[sflag:s13] =	ssyncset.done $0x0  }
0x20: {  	[sflag:s13] =	ssyncadd.s32 $0xFFFFC000  }
0x21: {  	_ =	swait.ge [sflag:s15], $0x4000  }
0x22: {  	[sflag:s15] =	ssyncset.done $0x0  }
0x23: {  	s30 =	sadd.s32 $0x0, s9;
	[sflag:s15] =	ssyncadd.s32 $0xFFFFC000  }
0x24: {  	[hbm4b:s30+s2] =	stream.linear.scatter [tilespmem:s14], [sflag:$0x2], $0x4000, $0x38;
	[tilespmem:$0x9400] =	vst v63  }
0x25: {  	s31 =	simm.s32 $0x100  }
0x26: {  	[tilespmem:s12], [sflag:$0x1] =	stream.indirect.gather [hbm4b:s1+s11], $0x80, s31, s11, $0xb8;
	[tilespmem:$0x9400] =	vst v63  }
0x27: {  	_ =	swait.ge [sflag:s13], $0x4000  }
0x28: {  	[sflag:s13] =	ssyncset.done $0x0  }
0x29: {  	[sflag:s13] =	ssyncadd.s32 $0xFFFFC000  }
0x2a: {  	s19 =	simm.s32 $0x2000;
	_ =	swait.ge [sflag:s15], $0x4000  }
0x2b: {  	s18 =	simm.s32 $0x200;
	s17 =	simm.s32 $0x1000;
	[sflag:s15] =	ssyncset.done $0x0  }
.LBB2_2:
0x2c: {  	s20 =	sadd.s32 s17, s8  }
0x2d: {  	[sflag:s15] =	ssyncadd.s32 $0xFFFFC000;
	s21 =	smov.u32 s19;
	s22 =	sadd.s32 $0x1000, s19  }
0x2e: {  	[hbm4b:s20+s2] =	stream.linear.scatter [tilespmem:s12], [sflag:$0x2], $0x4000, $0x38;
	[tilespmem:$0x9400] =	vst v63  }
0x2f: {  	p1 =	sne.s32 s19, $0x12000;
	s19 =	sadd.s32 $0xFFFFFF80, s18  }
0x30: {  	[tilespmem:s14], [sflag:$0x1] =	stream.indirect.gather [hbm4b:s1+s11], $0x80, s19, s11, $0xb8;
	[tilespmem:$0x9400] =	vst v63  }
0x31: {  	_ =	swait.ge [sflag:s13], $0x4000  }
0x32: {  	[sflag:s13] =	ssyncset.done $0x0  }
0x33: {  	[sflag:s13] =	ssyncadd.s32 $0xFFFFC000  }
0x34: {  	_ =	swait.ge [sflag:s15], $0x4000  }
0x35: {  	[sflag:s15] =	ssyncset.done $0x0  }
0x36: {  	s19 =	sadd.s32 s17, s9;
	s17 =	smov.u32 s21;
	[sflag:s15] =	ssyncadd.s32 $0xFFFFC000  }
0x37: {  	[hbm4b:s19+s2] =	stream.linear.scatter [tilespmem:s14], [sflag:$0x2], $0x4000, $0x38;
	[tilespmem:$0x9400] =	vst v63  }
0x38: {  	_ = 	snop  }
0x39: {  	[tilespmem:s12], [sflag:$0x1] =	stream.indirect.gather [hbm4b:s1+s11], $0x80, s18, s11, $0xb8;
	[tilespmem:$0x9400] =	vst v63  }
.Ltmp0:
0x3a: {  	_ =	swait.ge [sflag:s13], $0x4000;
	(pc) =	sbr.rel @p1 .LBB2_2-.Ltmp0, $4  }
0x3b: {  	[sflag:s13] =	ssyncset.done $0x0  }
0x3c: {  	[sflag:s13] =	ssyncadd.s32 $0xFFFFC000  }
0x3d: {  	_ =	swait.ge [sflag:s15], $0x4000  }
0x3e: {  	s19 =	smov.u32 s22;
	s18 =	sadd.s32 $0x100, s18;
	[sflag:s15] =	ssyncset.done $0x0  }
0x3f: {  	s19 =	sadd.s32 s17, s8;
	[sflag:s15] =	ssyncadd.s32 $0xFFFFC000  }
0x40: {  	[hbm4b:s19+s2] =	stream.linear.scatter [tilespmem:s12], [sflag:$0x2], $0x4000, $0x38;
	[tilespmem:$0x9400] =	vst v63  }
0x41: {  	s30 =	sadd.s32 $0xFFFFFF80, s18  }
0x42: {  	[tilespmem:s14], [sflag:$0x1] =	stream.indirect.gather [hbm4b:s1+s11], $0x80, s30, s11, $0xb8;
	[tilespmem:$0x9400] =	vst v63  }
0x43: {  	_ =	swait.ge [sflag:s13], $0x4000  }
0x44: {  	[sflag:s13] =	ssyncset.done $0x0  }
0x45: {  	[sflag:s13] =	ssyncadd.s32 $0xFFFFC000  }
0x46: {  	_ =	swait.ge [sflag:s15], $0x4000  }
0x47: {  	[sflag:s15] =	ssyncset.done $0x0  }
0x48: {  	s31 =	sadd.s32 s17, s9;
	[sflag:s15] =	ssyncadd.s32 $0xFFFFC000  }
0x49: {  	[hbm4b:s31+s2] =	stream.linear.scatter [tilespmem:s14], [sflag:$0x2], $0x4000, $0x38;
	[tilespmem:$0x9400] =	vst v63  }
0x4a: {  	_ = 	snop  }
0x4b: {  	[tilespmem:s12], [sflag:$0x1] =	stream.indirect.gather [hbm4b:s1+s11], $0x80, s18, s11, $0xb8;
	[tilespmem:$0x9400] =	vst v63  }
0x4c: {  	_ =	swait.ge [sflag:s13], $0x4000  }
0x4d: {  	[sflag:s13] =	ssyncset.done $0x0  }
0x4e: {  	[sflag:s13] =	ssyncadd.s32 $0xFFFFC000  }
0x4f: {  	_ =	swait.ge [sflag:s15], $0x4000  }
0x50: {  	[sflag:s15] =	ssyncset.done $0x0  }
0x51: {  	[sflag:s15] =	ssyncadd.s32 $0xFFFFC000  }
0x52: {  	[hbm4b:s4+s2] =	stream.linear.scatter [tilespmem:s12], [sflag:$0x3], $0x4000, $0x38;
	[tilespmem:$0x9400] =	vst v63  }
0x53: {  	_ =	swait.ge [sflag:s10], $0x4000  }
0x54: {  	s17 =	simm.s32 @!p0 $0x0;
	[sflag:s10] =	ssyncset.done $0x0  }
0x55: {  	s19 =	simm.s32 @!p0 $0x3;
	s18 =	simm.s32 @!p0 $0x1380;
	[sflag:s10] =	ssyncadd.s32 $0xFFFFC000  }
0x56: {  	[tilespmem:s18], [sflag:$0x3] =	stream.linear.gather @!p0 [hbm4b:s5+s17], $0x80, $0x38;
	[tilespmem:$0x9400] =	vst v63  }
0x57: {  	_ =	swait.ge @!p0 [sflag:s19], $0x80  }
0x58: {  	[sflag:s19] =	ssyncset.done @!p0 $0x0  }
0x59: {  	s20 =	simm.s32 @!p0 $0x80;
	s21 =	simm.s32 @!p0 $0x1400;
	[sflag:s19] =	ssyncadd.s32 @!p0 $0xFFFFFF80  }
0x5a: {  	[tilespmem:s21], [sflag:$0x1] =	stream.indirect.gather @!p0 [hbm4b:s1+s20], $0x80, s18, s20, $0xb8;
	[tilespmem:$0x9400] =	vst v63  }
0x5b: {  	s18 =	simm.s32 @!p0 $0x1  }
0x5c: {  	s16 =	sadd.s32 $0x1, s16;
	_ =	swait.ge @!p0 [sflag:s18], $0x4000  }
0x5d: {  	p1 =	sne.s32 s16, s7;
	[sflag:s18] =	ssyncset.done @!p0 $0x0  }
.Ltmp1:
0x5e: {  	[sflag:s18] =	ssyncadd.s32 @!p0 $0xFFFFC000;
	(pc) =	sbr.rel @p1 .LBB2_1-.Ltmp1, $4  }
0x5f: {  	[hbm4b:s6+s17] =	stream.linear.scatter @!p0 [tilespmem:s21], [sflag:$0x3], $0x4000, $0x38;
	[tilespmem:$0x9400] =	vst v63  }
0x60: {  	_ =	swait.ge @!p0 [sflag:s19], $0x4000  }
0x61: {  	[sflag:s19] =	ssyncset.done @!p0 $0x0  }
0x62: {  	[sflag:s19] =	ssyncadd.s32 @!p0 $0xFFFFC000  }
0x63: {  	_ =	sfence.sel $0x180000  }
0x64: {  	[bflag:$0x0] =	sbarrier.arrive $0xFFFF  }
0x65: {  	_ =	strace $0x90000047  }
0x66: {  	s0 =	sadd.s32 @!p0 $0x100000, s0;
	[bflag:$0x2] =	sbarrier.arrive $0xFFFF  }
0x67: {  	[sflag:s0] =	ssyncadd.tile.s32 @!p0 $0x1;
	_ =	shalt  }
.Lfunc_end2:
_tile_overlayer_lowered:
.L_overlay_start_2:
0x68: {  	(tag) =	ssettag $0x2  }
0x69: {  	s0 =	rddreg [dreg:$0x0];
	s2 =	stileid.u32  }
0x6a: {  	s1 =	rddreg [dreg:$0x1];
	p0 =	sne.s32 s2, $0x0  }
0x6b: {  	s3 =	rddreg [dreg:$0x2];
	[bflag:$0x3] =	sbarrier.arrive $0xFFFF;
	s2 =	simm.s32 @!p0 $0x1C03  }
0x6c: {  	[timem:s3], [sflag:s2] =	dma.local @!p0 [hbm:s0], s1  }
0x6d: {  	s0 =	simm.s32 @!p0 $0x3  }
0x6e: {  	_ =	swait.ge @!p0 [sflag:s0], s1  }
0x6f: {  	s1 =	ssub.s32 @!p0 $0x0, s1;
	[sflag:s0] =	ssyncset.done @!p0 $0x0  }
0x70: {  	[sflag:s0] =	ssyncadd.s32 @!p0 s1  }
0x71: {  	[bflag:$0x3] =	sbarrier.arrive $0xFFFF  }
0x72: {  	_ =	shalt  }

</sc_bundles>
